<compile_context>
chip_gen: v7x
topology: tpu7x:2x2x1
jax: 0.10.2.dev20260603
libtpu: 0.0.44.dev20260713+nightly
codegen_flags: <defaults>
</compile_context>

<pallas_src>
import functools

import jax
import jax.numpy as jnp
from jax import lax
from jax.experimental import pallas as pl
from jax.experimental.pallas import tpu as pltpu
from jax.experimental.pallas import tpu_sc as plsc

N = 10000
E = 320000
D = 128
H = 128
OUT = 7
P = 100000

NC = 2
NS = 16
NW = NC * NS
HD = D // NC

EPT = E // NS
SEG_CH = 100
SEG_NCH = EPT // SEG_CH

P_PAD = 102400
PPW = P_PAD // NW
PAIR_CH = 128
PAIR_NCH = PPW // PAIR_CH

ZR = 624
ZR_LAST = N - (NS - 1) * ZR


@functools.cache
def _sc_mesh():
    return plsc.VectorSubcoreMesh(core_axis_name="c", subcore_axis_name="s",
                                  num_cores=NC, num_subcores=NS)


def _stripe_copy(src_ref, dst_ref, s):
    off = pl.multiple_of(s * ZR, 8)

    @pl.when(s < NS - 1)
    def _():
        pltpu.sync_copy(src_ref.at[pl.ds(off, ZR)],
                        dst_ref.at[pl.ds(off, ZR)])

    @pl.when(s == NS - 1)
    def _():
        pltpu.sync_copy(src_ref.at[pl.ds((NS - 1) * ZR, ZR_LAST)],
                        dst_ref.at[pl.ds((NS - 1) * ZR, ZR_LAST)])


def _segsum_body(hs_hbm, src_hbm, dst_hbm, zero_hbm, out_hbm,
                 src_v, dst_v, bufa, bufb, acc, sema, semb):
    c = lax.axis_index("c")
    s = lax.axis_index("s")

    _stripe_copy(zero_hbm, acc, s)
    pltpu.sync_copy(src_hbm.at[s], src_v)
    pltpu.sync_copy(dst_hbm.at[s], dst_v)
    plsc.subcore_barrier()

    h_hbm = hs_hbm.at[c]

    def body(i, carry):
        j0 = 2 * i
        j1 = j0 + 1
        ca = pltpu.async_copy(h_hbm.at[src_v.at[j0]], bufa, sema)
        cb = pltpu.async_copy(h_hbm.at[src_v.at[j1]], bufb, semb)
        ca.wait()
        pltpu.sync_copy(bufa, acc.at[dst_v.at[j0]], add=True)
        cb.wait()
        pltpu.sync_copy(bufb, acc.at[dst_v.at[j1]], add=True)
        return carry

    lax.fori_loop(0, SEG_NCH // 2, body, 0)
    plsc.subcore_barrier()
    _stripe_copy(acc, out_hbm.at[c], s)


def _segsum(hs, src, dst, zero):
    k = pl.kernel(
        _segsum_body,
        out_type=jax.ShapeDtypeStruct((NC, N, HD), jnp.float32),
        mesh=_sc_mesh(),
        compiler_params=pltpu.CompilerParams(use_tc_tiling_on_sc=False),
        scratch_types=[
            pltpu.VMEM((SEG_NCH, SEG_CH), jnp.int32),
            pltpu.VMEM((SEG_NCH, SEG_CH), jnp.int32),
            pltpu.VMEM((SEG_CH, HD), jnp.float32),
            pltpu.VMEM((SEG_CH, HD), jnp.float32),
            pltpu.VMEM_SHARED((N, HD), jnp.float32),
            pltpu.SemaphoreType.DMA,
            pltpu.SemaphoreType.DMA,
        ],
    )
    return k(hs, src, dst, zero)


def _pair_body(u_hbm, v_hbm, p1_hbm, p2_hbm, g_hbm,
               p1_v, p2_v, bufa, bufb, sema, semb):
    c = lax.axis_index("c")
    s = lax.axis_index("s")
    wid = c * NS + s
    base = wid * PPW

    pltpu.sync_copy(p1_hbm.at[wid], p1_v)
    pltpu.sync_copy(p2_hbm.at[wid], p2_v)

    def body(j, carry):
        ca = pltpu.async_copy(u_hbm.at[p1_v.at[j]], bufa, sema)
        cb = pltpu.async_copy(v_hbm.at[p2_v.at[j]], bufb, semb)
        ca.wait()
        cb.wait()

        def radd(r, cr):
            for k in range(D // 16):
                sl = pl.ds(k * 16, 16)
                bufa[r, sl] = bufa[r, sl] + bufb[r, sl]
            return cr

        lax.fori_loop(0, PAIR_CH, radd, 0)
        pltpu.sync_copy(bufa, g_hbm.at[pl.ds(base + j * PAIR_CH, PAIR_CH)])
        return carry

    lax.fori_loop(0, PAIR_NCH, body, 0)


def _pair(u, v, p1, p2):
    k = pl.kernel(
        _pair_body,
        out_type=jax.ShapeDtypeStruct((P_PAD, D), jnp.float32),
        mesh=_sc_mesh(),
        scratch_types=[
            pltpu.VMEM((PAIR_NCH, PAIR_CH), jnp.int32),
            pltpu.VMEM((PAIR_NCH, PAIR_CH), jnp.int32),
            pltpu.VMEM((PAIR_CH, D), jnp.float32),
            pltpu.VMEM((PAIR_CH, D), jnp.float32),
            pltpu.SemaphoreType.DMA,
            pltpu.SemaphoreType.DMA,
        ],
    )
    return k(u, v, p1, p2)


def _gin_tc_body(eps_ref, h_ref, agg_ref, wa_ref, ba_ref, wb_ref, bb_ref,
                 g_ref, b_ref, out_ref):
    h = jnp.concatenate([h_ref[0], h_ref[1]], axis=1)
    agg = jnp.concatenate([agg_ref[0], agg_ref[1]], axis=1)
    t = h * (1.0 + eps_ref[0]) + agg
    t = jnp.dot(t, wa_ref[...], preferred_element_type=jnp.float32)
    t = jnp.maximum(t + ba_ref[...], 0.0)
    t = jnp.dot(t, wb_ref[...], preferred_element_type=jnp.float32)
    t = jnp.maximum(t + bb_ref[...], 0.0)
    m = jnp.mean(t, axis=0, keepdims=True)
    var = jnp.mean(t * t, axis=0, keepdims=True) - m * m
    t = (t - m) * lax.rsqrt(var + 1e-5) * g_ref[...] + b_ref[...]
    t = jnp.maximum(t, 0.0)
    out_ref[0] = t[:, :HD]
    out_ref[1] = t[:, HD:]


def _gin_tc(hs, aggs, wa, ba, wb, bb, eps, bng, bnb):
    vm = pl.BlockSpec(memory_space=pltpu.VMEM)
    return pl.pallas_call(
        _gin_tc_body,
        out_shape=jax.ShapeDtypeStruct((NC, N, HD), jnp.float32),
        in_specs=[pl.BlockSpec(memory_space=pltpu.SMEM)] + [vm] * 8,
        out_specs=vm,
    )(eps.reshape(1), hs, aggs, wa, ba.reshape(1, H), wb, bb.reshape(1, H),
      bng.reshape(1, H), bnb.reshape(1, H))


def _final_tc_body(h_ref, lw_ref, lb_ref, wat_ref, wab_ref, iba_ref,
                   u_ref, v_ref):
    h2 = jnp.concatenate([h_ref[0], h_ref[1]], axis=1)
    h = jnp.dot(h2, lw_ref[...], preferred_element_type=jnp.float32)
    h = jnp.maximum(h + lb_ref[...], 0.0)
    u_ref[...] = jnp.dot(h, wat_ref[...],
                         preferred_element_type=jnp.float32) + iba_ref[...]
    v_ref[...] = jnp.dot(h, wab_ref[...], preferred_element_type=jnp.float32)


def _final_tc(hs2, lin_w, lin_b, wat, wab, iba):
    return pl.pallas_call(
        _final_tc_body,
        out_shape=(jax.ShapeDtypeStruct((N, H), jnp.float32),
                   jax.ShapeDtypeStruct((N, H), jnp.float32)),
    )(hs2, lin_w, lin_b.reshape(1, H), wat, wab, iba.reshape(1, H))


_HEAD_BLK = 2048


def _head_tc_body(g_ref, wb_ref, bb_ref, out_ref):
    z = jnp.maximum(g_ref[...], 0.0)
    out_ref[...] = jnp.dot(z, wb_ref[...],
                           preferred_element_type=jnp.float32) + bb_ref[...]


def _head_tc(g, int_wb, int_bb):
    nblk = (P + _HEAD_BLK - 1) // _HEAD_BLK
    return pl.pallas_call(
        _head_tc_body,
        grid=(nblk,),
        in_specs=[
            pl.BlockSpec((_HEAD_BLK, H), lambda i: (i, 0)),
            pl.BlockSpec((H, OUT), lambda i: (0, 0)),
            pl.BlockSpec((1, OUT), lambda i: (0, 0)),
        ],
        out_specs=pl.BlockSpec((_HEAD_BLK, OUT), lambda i: (i, 0)),
        out_shape=jax.ShapeDtypeStruct((P, OUT), jnp.float32),
    )(g, int_wb, int_bb.reshape(1, OUT))


def kernel(x, edge_index, ppi_list, idx,
           w1a, b1a, w1b, b1b, eps0, bn0_g, bn0_b,
           w2a, b2a, w2b, b2b, eps1, bn1_g, bn1_b,
           lin_w, lin_b, int_wa, int_ba, int_wb, int_bb):
    src = edge_index[0].reshape(NS, SEG_NCH, SEG_CH)
    dst = edge_index[1].reshape(NS, SEG_NCH, SEG_CH)
    zero = jnp.zeros((N, HD), jnp.float32)

    xs = jnp.stack([x[:, :HD], x[:, HD:]])
    agg0 = _segsum(xs, src, dst, zero)
    h1 = _gin_tc(xs, agg0, w1a, b1a, w1b, b1b, eps0, bn0_g, bn0_b)
    agg1 = _segsum(h1, src, dst, zero)
    h2 = _gin_tc(h1, agg1, w2a, b2a, w2b, b2b, eps1, bn1_g, bn1_b)

    u, v = _final_tc(h2, lin_w, lin_b, int_wa[:H], int_wa[H:], int_ba)

    pairs = jnp.take(ppi_list, idx, axis=0)
    pad = jnp.zeros((P_PAD - P,), jnp.int32)
    p1 = jnp.concatenate([pairs[:, 0], pad]).reshape(NW, PAIR_NCH, PAIR_CH)
    p2 = jnp.concatenate([pairs[:, 1], pad]).reshape(NW, PAIR_NCH, PAIR_CH)

    g = _pair(u, v, p1, p2)
    return _head_tc(g, int_wb, int_bb)

# --- scband reference (transcript-rebuilt; emitter-appended) ---
"""Pipeline reference for scband-gin-29738353557972 (READ-ONLY COPY).

The authoritative reference and input builder live on the scoring server;
editing this copy changes nothing except your own understanding.
"""

import jax, jax.numpy as jnp
import numpy as np

N = 10000
E = 320000
D = 128
H = 128
OUT = 7
P = 100000


def _mlp_gin(h, wa, ba, wb, bb):
    h = jax.nn.relu(h @ wa + ba)
    h = jax.nn.relu(h @ wb + bb)
    return h


def _batchnorm(h, g, b, eps=1e-5):
    m = jnp.mean(h, axis=0, keepdims=True)
    v = jnp.var(h, axis=0, keepdims=True)
    return (h - m) / jnp.sqrt(v + eps) * g + b


def setup_inputs(seed: int = 0) -> dict:
    key = jax.random.key(seed)
    ks = jax.random.split(key, 24)

    def nrm(k, shape, scale=0.05):
        return jax.random.normal(k, shape, dtype=jnp.float32) * scale

    inp = {}
    inp["x"] = jax.random.normal(ks[0], (N, D), dtype=jnp.float32)
    inp["edge_index"] = jax.random.randint(ks[1], (2, E), 0, N, dtype=jnp.int32)
    inp["ppi_list"] = jax.random.randint(ks[2], (P, 2), 0, N, dtype=jnp.int32)
    inp["idx"] = jnp.arange(P, dtype=jnp.int32)
    # GIN layer 0 MLP (D -> H -> H) + eps + batchnorm params
    inp["w1a"] = nrm(ks[3], (D, H)); inp["b1a"] = jnp.zeros((H,), jnp.float32)
    inp["w1b"] = nrm(ks[4], (H, H)); inp["b1b"] = jnp.zeros((H,), jnp.float32)
    inp["eps0"] = jnp.zeros((), jnp.float32)
    inp["bn0_g"] = jnp.ones((H,), jnp.float32); inp["bn0_b"] = jnp.zeros((H,), jnp.float32)
    # GIN layer 1 MLP (H -> H -> H) + eps + batchnorm params
    inp["w2a"] = nrm(ks[5], (H, H)); inp["b2a"] = jnp.zeros((H,), jnp.float32)
    inp["w2b"] = nrm(ks[6], (H, H)); inp["b2b"] = jnp.zeros((H,), jnp.float32)
    inp["eps1"] = jnp.zeros((), jnp.float32)
    inp["bn1_g"] = jnp.ones((H,), jnp.float32); inp["bn1_b"] = jnp.zeros((H,), jnp.float32)
    # final node linear
    inp["lin_w"] = nrm(ks[7], (H, H)); inp["lin_b"] = jnp.zeros((H,), jnp.float32)
    # mlp interaction head: Linear(2H, H) -> ReLU -> Linear(H, OUT)
    inp["int_wa"] = nrm(ks[8], (2 * H, H)); inp["int_ba"] = jnp.zeros((H,), jnp.float32)
    inp["int_wb"] = nrm(ks[9], (H, OUT)); inp["int_bb"] = jnp.zeros((OUT,), jnp.float32)
    return inp


def reference(x, edge_index, ppi_list, idx,
              w1a, b1a, w1b, b1b, eps0, bn0_g, bn0_b,
              w2a, b2a, w2b, b2b, eps1, bn1_g, bn1_b,
              lin_w, lin_b, int_wa, int_ba, int_wb, int_bb):
    src = edge_index[0]
    dst = edge_index[1]
    h = x
    # GINConv layer 0: h' = MLP((1+eps)*h + sum_{j in N(i)} h_j)
    agg = jax.ops.segment_sum(h[src], dst, num_segments=N)
    h = _mlp_gin((1.0 + eps0) * h + agg, w1a, b1a, w1b, b1b)
    h = _batchnorm(h, bn0_g, bn0_b)
    h = jax.nn.relu(h)  # dropout p=0 -> identity
    # GINConv layer 1
    agg = jax.ops.segment_sum(h[src], dst, num_segments=N)
    h = _mlp_gin((1.0 + eps1) * h + agg, w2a, b2a, w2b, b2b)
    h = _batchnorm(h, bn1_g, bn1_b)
    h = jax.nn.relu(h)
    # final node projection (final dropout is identity in eval)
    h = jax.nn.relu(h @ lin_w + lin_b)
    # gather PPI pairs and apply interaction MLP
    pairs = ppi_list[idx]
    h1 = h[pairs[:, 0]]
    h2 = h[pairs[:, 1]]
    z = jnp.concatenate([h1, h2], axis=1)
    z = jax.nn.relu(z @ int_wa + int_ba)  # inner dropout identity in eval
    out = z @ int_wb + int_bb
    return out

if __name__ == "__main__":
    import jax
    _d = setup_inputs()
    print(jax.jit(kernel)(*tuple(_d.values())))

</pallas_src>

<mosaic_0001>
#map = affine_map<(d0, d1) -> (0, 0, 0)>
#map1 = affine_map<(d0, d1) -> (0, 0)>
module attributes {stable_mosaic.version = 14 : i64} {
  func.func @_segsum_body(%arg0: i32, %arg1: i32, %arg2: memref<2x10000x64xf32, #tpu.memory_space<hbm>>, %arg3: memref<16x200x100xi32, #tpu.memory_space<hbm>>, %arg4: memref<16x200x100xi32, #tpu.memory_space<hbm>>, %arg5: memref<10000x64xf32, #tpu.memory_space<hbm>>, %arg6: memref<2x10000x64xf32, #tpu.memory_space<hbm>>, %arg7: memref<200x100xi32, #tpu.memory_space<vmem>>, %arg8: memref<200x100xi32, #tpu.memory_space<vmem>>, %arg9: memref<100x64xf32, #tpu.memory_space<vmem>>, %arg10: memref<100x64xf32, #tpu.memory_space<vmem>>, %arg11: memref<10000x64xf32, #tpu.memory_space<vmem_shared>>, %arg12: memref<!tpu.dma_semaphore, #tpu.memory_space<semaphore_mem>>, %arg13: memref<!tpu.dma_semaphore, #tpu.memory_space<semaphore_mem>>) attributes {dimension_semantics = [#tpu.dimension_semantics<core_parallel>, #tpu.dimension_semantics<subcore_parallel>], iteration_bounds = array<i64: 2, 16>, scalar_prefetch = 0 : i64, scratch_operands = 7 : i64, tpu.core_type = #tpu.core_type<sc_vector_subcore>, window_params = [{transform_indices = #map}, {transform_indices = #map}, {transform_indices = #map}, {transform_indices = #map1}, {transform_indices = #map}]} {
    %mul3A = arith.constant 624 : i32
    %mul3A_0 = arith.muli %arg1, %mul3A : i32
    %multiple_of3A = tpu.assume_multiple %mul3A_0, 8 : i32
    %lt3A = arith.constant 15 : i32
    %lt3A_1 = arith.cmpi slt, %arg1, %lt3A : i32
    %convert_element_type3A = arith.extui %lt3A_1 : i1 to i32
    %cond3A = arith.constant 0 : i32
    %cond3A_2 = arith.cmpi ne, %convert_element_type3A, %cond3A : i32
    scf.if %cond3A_2 {
      "tpu.region"() ({
        %run_scoped3A = tpu.sem_alloc : memref<!tpu.dma_semaphore, #tpu.memory_space<semaphore_mem>>
        %dma_start3A = arith.constant 0 : i32
        %dma_start3A_26 = tpu.memref_slice %arg11[%multiple_of3A, %dma_start3A] : memref<10000x64xf32, #tpu.memory_space<vmem_shared>> -> memref<624x64xf32, #tpu.memory_space<vmem_shared>>
        %dma_start3A_27 = arith.constant 0 : i32
        %dma_start3A_28 = tpu.memref_slice %arg5[%multiple_of3A, %dma_start3A_27] : memref<10000x64xf32, #tpu.memory_space<hbm>> -> memref<624x64xf32, #tpu.memory_space<hbm>>
        tpu.enqueue_dma source(%dma_start3A_28 : memref<624x64xf32, #tpu.memory_space<hbm>>) target(%dma_start3A_26 : memref<624x64xf32, #tpu.memory_space<vmem_shared>>) target_semaphore(%run_scoped3A : memref<!tpu.dma_semaphore, #tpu.memory_space<semaphore_mem>>)
        %dma_wait3A = arith.constant 0 : i32
        %dma_wait3A_29 = tpu.memref_slice %arg11[%multiple_of3A, %dma_wait3A] : memref<10000x64xf32, #tpu.memory_space<vmem_shared>> -> memref<624x64xf32, #tpu.memory_space<vmem_shared>>
        %dma_wait3A_30 = arith.constant 0 : i32
        %dma_wait3A_31 = tpu.memref_slice %arg5[%multiple_of3A, %dma_wait3A_30] : memref<10000x64xf32, #tpu.memory_space<hbm>> -> memref<624x64xf32, #tpu.memory_space<hbm>>
        tpu.wait_dma2 semaphore(%run_scoped3A : memref<!tpu.dma_semaphore, #tpu.memory_space<semaphore_mem>>) src(%dma_wait3A_31 : memref<624x64xf32, #tpu.memory_space<hbm>>) dst(%dma_wait3A_29 : memref<624x64xf32, #tpu.memory_space<vmem_shared>>)
        tpu.yield
      }) : () -> ()
    } else {
    }
    %eq3A = arith.constant 15 : i32
    %eq3A_3 = arith.cmpi eq, %arg1, %eq3A : i32
    %convert_element_type3A_4 = arith.extui %eq3A_3 : i1 to i32
    %cond3A_5 = arith.constant 0 : i32
    %cond3A_6 = arith.cmpi ne, %convert_element_type3A_4, %cond3A_5 : i32
    scf.if %cond3A_6 {
      "tpu.region"() ({
        %run_scoped3A = tpu.sem_alloc : memref<!tpu.dma_semaphore, #tpu.memory_space<semaphore_mem>>
        %dma_start3A = arith.constant 9360 : i32
        %dma_start3A_26 = arith.constant 0 : i32
        %dma_start3A_27 = tpu.memref_slice %arg11[%dma_start3A, %dma_start3A_26] : memref<10000x64xf32, #tpu.memory_space<vmem_shared>> -> memref<640x64xf32, #tpu.memory_space<vmem_shared>>
        %dma_start3A_28 = arith.constant 9360 : i32
        %dma_start3A_29 = arith.constant 0 : i32
        %dma_start3A_30 = tpu.memref_slice %arg5[%dma_start3A_28, %dma_start3A_29] : memref<10000x64xf32, #tpu.memory_space<hbm>> -> memref<640x64xf32, #tpu.memory_space<hbm>>
        tpu.enqueue_dma source(%dma_start3A_30 : memref<640x64xf32, #tpu.memory_space<hbm>>) target(%dma_start3A_27 : memref<640x64xf32, #tpu.memory_space<vmem_shared>>) target_semaphore(%run_scoped3A : memref<!tpu.dma_semaphore, #tpu.memory_space<semaphore_mem>>)
        %dma_wait3A = arith.constant 9360 : i32
        %dma_wait3A_31 = arith.constant 0 : i32
        %dma_wait3A_32 = tpu.memref_slice %arg11[%dma_wait3A, %dma_wait3A_31] : memref<10000x64xf32, #tpu.memory_space<vmem_shared>> -> memref<640x64xf32, #tpu.memory_space<vmem_shared>>
        %dma_wait3A_33 = arith.constant 9360 : i32
        %dma_wait3A_34 = arith.constant 0 : i32
        %dma_wait3A_35 = tpu.memref_slice %arg5[%dma_wait3A_33, %dma_wait3A_34] : memref<10000x64xf32, #tpu.memory_space<hbm>> -> memref<640x64xf32, #tpu.memory_space<hbm>>
        tpu.wait_dma2 semaphore(%run_scoped3A : memref<!tpu.dma_semaphore, #tpu.memory_space<semaphore_mem>>) src(%dma_wait3A_35 : memref<640x64xf32, #tpu.memory_space<hbm>>) dst(%dma_wait3A_32 : memref<640x64xf32, #tpu.memory_space<vmem_shared>>)
        tpu.yield
      }) : () -> ()
    } else {
    }
    "tpu.region"() ({
      %run_scoped3A = tpu.sem_alloc : memref<!tpu.dma_semaphore, #tpu.memory_space<semaphore_mem>>
      %dma_start3A = arith.constant 0 : i32
      %dma_start3A_26 = arith.constant 0 : i32
      %dma_start3A_27 = tpu.memref_slice %arg3[%arg1, %dma_start3A, %dma_start3A_26] : memref<16x200x100xi32, #tpu.memory_space<hbm>> -> memref<1x200x100xi32, #tpu.memory_space<hbm>>
      %dma_start3A_28 = tpu.memref_squeeze %dma_start3A_27 : memref<1x200x100xi32, #tpu.memory_space<hbm>> -> memref<200x100xi32, #tpu.memory_space<hbm>>
      %dma_start3A_29 = arith.constant 0 : i32
      %dma_start3A_30 = arith.constant 0 : i32
      %dma_start3A_31 = tpu.memref_slice %arg3[%arg1, %dma_start3A_29, %dma_start3A_30] : memref<16x200x100xi32, #tpu.memory_space<hbm>> -> memref<1x200x100xi32, #tpu.memory_space<hbm>>
      %dma_start3A_32 = tpu.memref_squeeze %dma_start3A_31 : memref<1x200x100xi32, #tpu.memory_space<hbm>> -> memref<200x100xi32, #tpu.memory_space<hbm>>
      tpu.enqueue_dma source(%dma_start3A_32 : memref<200x100xi32, #tpu.memory_space<hbm>>) target(%arg7 : memref<200x100xi32, #tpu.memory_space<vmem>>) target_semaphore(%run_scoped3A : memref<!tpu.dma_semaphore, #tpu.memory_space<semaphore_mem>>)
      %dma_wait3A = arith.constant 0 : i32
      %dma_wait3A_33 = arith.constant 0 : i32
      %dma_wait3A_34 = tpu.memref_slice %arg3[%arg1, %dma_wait3A, %dma_wait3A_33] : memref<16x200x100xi32, #tpu.memory_space<hbm>> -> memref<1x200x100xi32, #tpu.memory_space<hbm>>
      %dma_wait3A_35 = tpu.memref_squeeze %dma_wait3A_34 : memref<1x200x100xi32, #tpu.memory_space<hbm>> -> memref<200x100xi32, #tpu.memory_space<hbm>>
      %dma_wait3A_36 = arith.constant 0 : i32
      %dma_wait3A_37 = arith.constant 0 : i32
      %dma_wait3A_38 = tpu.memref_slice %arg3[%arg1, %dma_wait3A_36, %dma_wait3A_37] : memref<16x200x100xi32, #tpu.memory_space<hbm>> -> memref<1x200x100xi32, #tpu.memory_space<hbm>>
      %dma_wait3A_39 = tpu.memref_squeeze %dma_wait3A_38 : memref<1x200x100xi32, #tpu.memory_space<hbm>> -> memref<200x100xi32, #tpu.memory_space<hbm>>
      tpu.wait_dma2 semaphore(%run_scoped3A : memref<!tpu.dma_semaphore, #tpu.memory_space<semaphore_mem>>) src(%dma_wait3A_39 : memref<200x100xi32, #tpu.memory_space<hbm>>) dst(%arg7 : memref<200x100xi32, #tpu.memory_space<vmem>>)
      tpu.yield
    }) : () -> ()
    "tpu.region"() ({
      %run_scoped3A = tpu.sem_alloc : memref<!tpu.dma_semaphore, #tpu.memory_space<semaphore_mem>>
      %dma_start3A = arith.constant 0 : i32
      %dma_start3A_26 = arith.constant 0 : i32
      %dma_start3A_27 = tpu.memref_slice %arg4[%arg1, %dma_start3A, %dma_start3A_26] : memref<16x200x100xi32, #tpu.memory_space<hbm>> -> memref<1x200x100xi32, #tpu.memory_space<hbm>>
      %dma_start3A_28 = tpu.memref_squeeze %dma_start3A_27 : memref<1x200x100xi32, #tpu.memory_space<hbm>> -> memref<200x100xi32, #tpu.memory_space<hbm>>
      %dma_start3A_29 = arith.constant 0 : i32
      %dma_start3A_30 = arith.constant 0 : i32
      %dma_start3A_31 = tpu.memref_slice %arg4[%arg1, %dma_start3A_29, %dma_start3A_30] : memref<16x200x100xi32, #tpu.memory_space<hbm>> -> memref<1x200x100xi32, #tpu.memory_space<hbm>>
      %dma_start3A_32 = tpu.memref_squeeze %dma_start3A_31 : memref<1x200x100xi32, #tpu.memory_space<hbm>> -> memref<200x100xi32, #tpu.memory_space<hbm>>
      tpu.enqueue_dma source(%dma_start3A_32 : memref<200x100xi32, #tpu.memory_space<hbm>>) target(%arg8 : memref<200x100xi32, #tpu.memory_space<vmem>>) target_semaphore(%run_scoped3A : memref<!tpu.dma_semaphore, #tpu.memory_space<semaphore_mem>>)
      %dma_wait3A = arith.constant 0 : i32
      %dma_wait3A_33 = arith.constant 0 : i32
      %dma_wait3A_34 = tpu.memref_slice %arg4[%arg1, %dma_wait3A, %dma_wait3A_33] : memref<16x200x100xi32, #tpu.memory_space<hbm>> -> memref<1x200x100xi32, #tpu.memory_space<hbm>>
      %dma_wait3A_35 = tpu.memref_squeeze %dma_wait3A_34 : memref<1x200x100xi32, #tpu.memory_space<hbm>> -> memref<200x100xi32, #tpu.memory_space<hbm>>
      %dma_wait3A_36 = arith.constant 0 : i32
      %dma_wait3A_37 = arith.constant 0 : i32
      %dma_wait3A_38 = tpu.memref_slice %arg4[%arg1, %dma_wait3A_36, %dma_wait3A_37] : memref<16x200x100xi32, #tpu.memory_space<hbm>> -> memref<1x200x100xi32, #tpu.memory_space<hbm>>
      %dma_wait3A_39 = tpu.memref_squeeze %dma_wait3A_38 : memref<1x200x100xi32, #tpu.memory_space<hbm>> -> memref<200x100xi32, #tpu.memory_space<hbm>>
      tpu.wait_dma2 semaphore(%run_scoped3A : memref<!tpu.dma_semaphore, #tpu.memory_space<semaphore_mem>>) src(%dma_wait3A_39 : memref<200x100xi32, #tpu.memory_space<hbm>>) dst(%arg8 : memref<200x100xi32, #tpu.memory_space<vmem>>)
      tpu.yield
    }) : () -> ()
    %barrier3A = arith.constant 0 : index
    tpu.barrier barrier_id(%barrier3A)
    %scan3A = arith.constant 0 : i32
    %scan3A_7 = arith.constant 0 : i32
    %scan3A_8 = arith.constant 100 : i32
    %scan3A_9 = arith.addi %scan3A_7, %scan3A_8 : i32
    %scan3A_10 = arith.constant 1 : i32
    scf.for %scan3A_26 = %scan3A_7 to %scan3A_9 step %scan3A_10  : i32 {
      %mul3A_27 = arith.constant 2 : i32
      %mul3A_28 = arith.muli %mul3A_27, %scan3A_26 : i32
      %add3A = arith.constant 1 : i32
      %add3A_29 = arith.addi %mul3A_28, %add3A : i32
      %dma_start3A = arith.constant 0 : i32
      %dma_start3A_30 = tpu.memref_slice %arg7[%mul3A_28, %dma_start3A] : memref<200x100xi32, #tpu.memory_space<vmem>> -> memref<1x100xi32, #tpu.memory_space<vmem>>
      %dma_start3A_31 = tpu.memref_squeeze %dma_start3A_30 : memref<1x100xi32, #tpu.memory_space<vmem>> -> memref<100xi32, #tpu.memory_space<vmem>>
      %dma_start3A_32 = arith.constant 0 : i32
      %dma_start3A_33 = arith.constant 0 : i32
      %dma_start3A_34 = tpu.memref_slice %arg2[%arg0, %dma_start3A_32, %dma_start3A_33] : memref<2x10000x64xf32, #tpu.memory_space<hbm>> -> memref<1x10000x64xf32, #tpu.memory_space<hbm>>
      %dma_start3A_35 = tpu.memref_squeeze %dma_start3A_34 : memref<1x10000x64xf32, #tpu.memory_space<hbm>> -> memref<10000x64xf32, #tpu.memory_space<hbm>>
      %dma_start3A_36 = arith.constant 0 : i32
      %dma_start3A_37 = arith.constant 0 : i32
      %dma_start3A_38 = tpu.memref_slice %dma_start3A_35[%dma_start3A_36, %dma_start3A_37] : memref<10000x64xf32, #tpu.memory_space<hbm>> -> memref<10000x64xf32, #tpu.memory_space<hbm>>
      tpu.enqueue_indirect_dma source(%dma_start3A_38 : memref<10000x64xf32, #tpu.memory_space<hbm>>) target(%arg9 : memref<100x64xf32, #tpu.memory_space<vmem>>) offsets(%dma_start3A_31 : memref<100xi32, #tpu.memory_space<vmem>>) semaphore(%arg12 : memref<!tpu.dma_semaphore, #tpu.memory_space<semaphore_mem>>)
      %dma_start3A_39 = arith.constant 0 : i32
      %dma_start3A_40 = tpu.memref_slice %arg7[%add3A_29, %dma_start3A_39] : memref<200x100xi32, #tpu.memory_space<vmem>> -> memref<1x100xi32, #tpu.memory_space<vmem>>
      %dma_start3A_41 = tpu.memref_squeeze %dma_start3A_40 : memref<1x100xi32, #tpu.memory_space<vmem>> -> memref<100xi32, #tpu.memory_space<vmem>>
      %dma_start3A_42 = arith.constant 0 : i32
      %dma_start3A_43 = arith.constant 0 : i32
      %dma_start3A_44 = tpu.memref_slice %arg2[%arg0, %dma_start3A_42, %dma_start3A_43] : memref<2x10000x64xf32, #tpu.memory_space<hbm>> -> memref<1x10000x64xf32, #tpu.memory_space<hbm>>
      %dma_start3A_45 = tpu.memref_squeeze %dma_start3A_44 : memref<1x10000x64xf32, #tpu.memory_space<hbm>> -> memref<10000x64xf32, #tpu.memory_space<hbm>>
      %dma_start3A_46 = arith.constant 0 : i32
      %dma_start3A_47 = arith.constant 0 : i32
      %dma_start3A_48 = tpu.memref_slice %dma_start3A_45[%dma_start3A_46, %dma_start3A_47] : memref<10000x64xf32, #tpu.memory_space<hbm>> -> memref<10000x64xf32, #tpu.memory_space<hbm>>
      tpu.enqueue_indirect_dma source(%dma_start3A_48 : memref<10000x64xf32, #tpu.memory_space<hbm>>) target(%arg10 : memref<100x64xf32, #tpu.memory_space<vmem>>) offsets(%dma_start3A_41 : memref<100xi32, #tpu.memory_space<vmem>>) semaphore(%arg13 : memref<!tpu.dma_semaphore, #tpu.memory_space<semaphore_mem>>)
      %dma_wait3A = arith.constant 0 : i32
      %dma_wait3A_49 = tpu.memref_slice %arg7[%mul3A_28, %dma_wait3A] : memref<200x100xi32, #tpu.memory_space<vmem>> -> memref<1x100xi32, #tpu.memory_space<vmem>>
      %dma_wait3A_50 = tpu.memref_squeeze %dma_wait3A_49 : memref<1x100xi32, #tpu.memory_space<vmem>> -> memref<100xi32, #tpu.memory_space<vmem>>
      %dma_wait3A_51 = arith.constant 0 : i32
      %dma_wait3A_52 = arith.constant 0 : i32
      %dma_wait3A_53 = tpu.memref_slice %arg2[%arg0, %dma_wait3A_51, %dma_wait3A_52] : memref<2x10000x64xf32, #tpu.memory_space<hbm>> -> memref<1x10000x64xf32, #tpu.memory_space<hbm>>
      %dma_wait3A_54 = tpu.memref_squeeze %dma_wait3A_53 : memref<1x10000x64xf32, #tpu.memory_space<hbm>> -> memref<10000x64xf32, #tpu.memory_space<hbm>>
      %dma_wait3A_55 = arith.constant 0 : i32
      %dma_wait3A_56 = arith.constant 0 : i32
      %dma_wait3A_57 = tpu.memref_slice %dma_wait3A_54[%dma_wait3A_55, %dma_wait3A_56] : memref<10000x64xf32, #tpu.memory_space<hbm>> -> memref<10000x64xf32, #tpu.memory_space<hbm>>
      tpu.wait_indirect_dma semaphore(%arg12 : memref<!tpu.dma_semaphore, #tpu.memory_space<semaphore_mem>>) src(%dma_wait3A_57 : memref<10000x64xf32, #tpu.memory_space<hbm>>) dst(%arg9 : memref<100x64xf32, #tpu.memory_space<vmem>>)
      "tpu.region"() ({
        %run_scoped3A = tpu.sem_alloc : memref<!tpu.dma_semaphore, #tpu.memory_space<semaphore_mem>>
        %dma_start3A_68 = arith.constant 0 : i32
        %dma_start3A_69 = tpu.memref_slice %arg8[%mul3A_28, %dma_start3A_68] : memref<200x100xi32, #tpu.memory_space<vmem>> -> memref<1x100xi32, #tpu.memory_space<vmem>>
        %dma_start3A_70 = tpu.memref_squeeze %dma_start3A_69 : memref<1x100xi32, #tpu.memory_space<vmem>> -> memref<100xi32, #tpu.memory_space<vmem>>
        %dma_start3A_71 = arith.constant 0 : i32
        %dma_start3A_72 = arith.constant 0 : i32
        %dma_start3A_73 = tpu.memref_slice %arg11[%dma_start3A_71, %dma_start3A_72] : memref<10000x64xf32, #tpu.memory_space<vmem_shared>> -> memref<10000x64xf32, #tpu.memory_space<vmem_shared>>
        tpu.enqueue_indirect_dma source(%arg9 : memref<100x64xf32, #tpu.memory_space<vmem>>) target(%dma_start3A_73 : memref<10000x64xf32, #tpu.memory_space<vmem_shared>>) offsets(%dma_start3A_70 : memref<100xi32, #tpu.memory_space<vmem>>) semaphore(%run_scoped3A : memref<!tpu.dma_semaphore, #tpu.memory_space<semaphore_mem>>) {add = true}
        %dma_wait3A_74 = arith.constant 0 : i32
        %dma_wait3A_75 = tpu.memref_slice %arg8[%mul3A_28, %dma_wait3A_74] : memref<200x100xi32, #tpu.memory_space<vmem>> -> memref<1x100xi32, #tpu.memory_space<vmem>>
        %dma_wait3A_76 = tpu.memref_squeeze %dma_wait3A_75 : memref<1x100xi32, #tpu.memory_space<vmem>> -> memref<100xi32, #tpu.memory_space<vmem>>
        %dma_wait3A_77 = arith.constant 0 : i32
        %dma_wait3A_78 = arith.constant 0 : i32
        %dma_wait3A_79 = tpu.memref_slice %arg11[%dma_wait3A_77, %dma_wait3A_78] : memref<10000x64xf32, #tpu.memory_space<vmem_shared>> -> memref<10000x64xf32, #tpu.memory_space<vmem_shared>>
        tpu.wait_indirect_dma semaphore(%run_scoped3A : memref<!tpu.dma_semaphore, #tpu.memory_space<semaphore_mem>>) src(%arg9 : memref<100x64xf32, #tpu.memory_space<vmem>>) dst(%dma_wait3A_79 : memref<10000x64xf32, #tpu.memory_space<vmem_shared>>)
        tpu.yield
      }) : () -> ()
      %dma_wait3A_58 = arith.constant 0 : i32
      %dma_wait3A_59 = tpu.memref_slice %arg7[%add3A_29, %dma_wait3A_58] : memref<200x100xi32, #tpu.memory_space<vmem>> -> memref<1x100xi32, #tpu.memory_space<vmem>>
      %dma_wait3A_60 = tpu.memref_squeeze %dma_wait3A_59 : memref<1x100xi32, #tpu.memory_space<vmem>> -> memref<100xi32, #tpu.memory_space<vmem>>
      %dma_wait3A_61 = arith.constant 0 : i32
      %dma_wait3A_62 = arith.constant 0 : i32
      %dma_wait3A_63 = tpu.memref_slice %arg2[%arg0, %dma_wait3A_61, %dma_wait3A_62] : memref<2x10000x64xf32, #tpu.memory_space<hbm>> -> memref<1x10000x64xf32, #tpu.memory_space<hbm>>
      %dma_wait3A_64 = tpu.memref_squeeze %dma_wait3A_63 : memref<1x10000x64xf32, #tpu.memory_space<hbm>> -> memref<10000x64xf32, #tpu.memory_space<hbm>>
      %dma_wait3A_65 = arith.constant 0 : i32
      %dma_wait3A_66 = arith.constant 0 : i32
      %dma_wait3A_67 = tpu.memref_slice %dma_wait3A_64[%dma_wait3A_65, %dma_wait3A_66] : memref<10000x64xf32, #tpu.memory_space<hbm>> -> memref<10000x64xf32, #tpu.memory_space<hbm>>
      tpu.wait_indirect_dma semaphore(%arg13 : memref<!tpu.dma_semaphore, #tpu.memory_space<semaphore_mem>>) src(%dma_wait3A_67 : memref<10000x64xf32, #tpu.memory_space<hbm>>) dst(%arg10 : memref<100x64xf32, #tpu.memory_space<vmem>>)
      "tpu.region"() ({
        %run_scoped3A = tpu.sem_alloc : memref<!tpu.dma_semaphore, #tpu.memory_space<semaphore_mem>>
        %dma_start3A_68 = arith.constant 0 : i32
        %dma_start3A_69 = tpu.memref_slice %arg8[%add3A_29, %dma_start3A_68] : memref<200x100xi32, #tpu.memory_space<vmem>> -> memref<1x100xi32, #tpu.memory_space<vmem>>
        %dma_start3A_70 = tpu.memref_squeeze %dma_start3A_69 : memref<1x100xi32, #tpu.memory_space<vmem>> -> memref<100xi32, #tpu.memory_space<vmem>>
        %dma_start3A_71 = arith.constant 0 : i32
        %dma_start3A_72 = arith.constant 0 : i32
        %dma_start3A_73 = tpu.memref_slice %arg11[%dma_start3A_71, %dma_start3A_72] : memref<10000x64xf32, #tpu.memory_space<vmem_shared>> -> memref<10000x64xf32, #tpu.memory_space<vmem_shared>>
        tpu.enqueue_indirect_dma source(%arg10 : memref<100x64xf32, #tpu.memory_space<vmem>>) target(%dma_start3A_73 : memref<10000x64xf32, #tpu.memory_space<vmem_shared>>) offsets(%dma_start3A_70 : memref<100xi32, #tpu.memory_space<vmem>>) semaphore(%run_scoped3A : memref<!tpu.dma_semaphore, #tpu.memory_space<semaphore_mem>>) {add = true}
        %dma_wait3A_74 = arith.constant 0 : i32
        %dma_wait3A_75 = tpu.memref_slice %arg8[%add3A_29, %dma_wait3A_74] : memref<200x100xi32, #tpu.memory_space<vmem>> -> memref<1x100xi32, #tpu.memory_space<vmem>>
        %dma_wait3A_76 = tpu.memref_squeeze %dma_wait3A_75 : memref<1x100xi32, #tpu.memory_space<vmem>> -> memref<100xi32, #tpu.memory_space<vmem>>
        %dma_wait3A_77 = arith.constant 0 : i32
        %dma_wait3A_78 = arith.constant 0 : i32
        %dma_wait3A_79 = tpu.memref_slice %arg11[%dma_wait3A_77, %dma_wait3A_78] : memref<10000x64xf32, #tpu.memory_space<vmem_shared>> -> memref<10000x64xf32, #tpu.memory_space<vmem_shared>>
        tpu.wait_indirect_dma semaphore(%run_scoped3A : memref<!tpu.dma_semaphore, #tpu.memory_space<semaphore_mem>>) src(%arg10 : memref<100x64xf32, #tpu.memory_space<vmem>>) dst(%dma_wait3A_79 : memref<10000x64xf32, #tpu.memory_space<vmem_shared>>)
        tpu.yield
      }) : () -> ()
    }
    %scan3A_11 = arith.constant 100 : i32
    %barrier3A_12 = arith.constant 0 : index
    tpu.barrier barrier_id(%barrier3A_12)
    %mul3A_13 = arith.constant 624 : i32
    %mul3A_14 = arith.muli %arg1, %mul3A_13 : i32
    %multiple_of3A_15 = tpu.assume_multiple %mul3A_14, 8 : i32
    %lt3A_16 = arith.constant 15 : i32
    %lt3A_17 = arith.cmpi slt, %arg1, %lt3A_16 : i32
    %convert_element_type3A_18 = arith.extui %lt3A_17 : i1 to i32
    %cond3A_19 = arith.constant 0 : i32
    %cond3A_20 = arith.cmpi ne, %convert_element_type3A_18, %cond3A_19 : i32
    scf.if %cond3A_20 {
      "tpu.region"() ({
        %run_scoped3A = tpu.sem_alloc : memref<!tpu.dma_semaphore, #tpu.memory_space<semaphore_mem>>
        %dma_start3A = arith.constant 0 : i32
        %dma_start3A_26 = arith.constant 0 : i32
        %dma_start3A_27 = tpu.memref_slice %arg6[%arg0, %dma_start3A, %dma_start3A_26] : memref<2x10000x64xf32, #tpu.memory_space<hbm>> -> memref<1x10000x64xf32, #tpu.memory_space<hbm>>
        %dma_start3A_28 = tpu.memref_squeeze %dma_start3A_27 : memref<1x10000x64xf32, #tpu.memory_space<hbm>> -> memref<10000x64xf32, #tpu.memory_space<hbm>>
        %dma_start3A_29 = arith.constant 0 : i32
        %dma_start3A_30 = tpu.memref_slice %dma_start3A_28[%multiple_of3A_15, %dma_start3A_29] : memref<10000x64xf32, #tpu.memory_space<hbm>> -> memref<624x64xf32, #tpu.memory_space<hbm>>
        %dma_start3A_31 = arith.constant 0 : i32
        %dma_start3A_32 = tpu.memref_slice %arg11[%multiple_of3A_15, %dma_start3A_31] : memref<10000x64xf32, #tpu.memory_space<vmem_shared>> -> memref<624x64xf32, #tpu.memory_space<vmem_shared>>
        tpu.enqueue_dma source(%dma_start3A_32 : memref<624x64xf32, #tpu.memory_space<vmem_shared>>) target(%dma_start3A_30 : memref<624x64xf32, #tpu.memory_space<hbm>>) target_semaphore(%run_scoped3A : memref<!tpu.dma_semaphore, #tpu.memory_space<semaphore_mem>>)
        %dma_wait3A = arith.constant 0 : i32
        %dma_wait3A_33 = arith.constant 0 : i32
        %dma_wait3A_34 = tpu.memref_slice %arg6[%arg0, %dma_wait3A, %dma_wait3A_33] : memref<2x10000x64xf32, #tpu.memory_space<hbm>> -> memref<1x10000x64xf32, #tpu.memory_space<hbm>>
        %dma_wait3A_35 = tpu.memref_squeeze %dma_wait3A_34 : memref<1x10000x64xf32, #tpu.memory_space<hbm>> -> memref<10000x64xf32, #tpu.memory_space<hbm>>
        %dma_wait3A_36 = arith.constant 0 : i32
        %dma_wait3A_37 = tpu.memref_slice %dma_wait3A_35[%multiple_of3A_15, %dma_wait3A_36] : memref<10000x64xf32, #tpu.memory_space<hbm>> -> memref<624x64xf32, #tpu.memory_space<hbm>>
        %dma_wait3A_38 = arith.constant 0 : i32
        %dma_wait3A_39 = tpu.memref_slice %arg11[%multiple_of3A_15, %dma_wait3A_38] : memref<10000x64xf32, #tpu.memory_space<vmem_shared>> -> memref<624x64xf32, #tpu.memory_space<vmem_shared>>
        tpu.wait_dma2 semaphore(%run_scoped3A : memref<!tpu.dma_semaphore, #tpu.memory_space<semaphore_mem>>) src(%dma_wait3A_39 : memref<624x64xf32, #tpu.memory_space<vmem_shared>>) dst(%dma_wait3A_37 : memref<624x64xf32, #tpu.memory_space<hbm>>)
        tpu.yield
      }) : () -> ()
    } else {
    }
    %eq3A_21 = arith.constant 15 : i32
    %eq3A_22 = arith.cmpi eq, %arg1, %eq3A_21 : i32
    %convert_element_type3A_23 = arith.extui %eq3A_22 : i1 to i32
    %cond3A_24 = arith.constant 0 : i32
    %cond3A_25 = arith.cmpi ne, %convert_element_type3A_23, %cond3A_24 : i32
    scf.if %cond3A_25 {
      "tpu.region"() ({
        %run_scoped3A = tpu.sem_alloc : memref<!tpu.dma_semaphore, #tpu.memory_space<semaphore_mem>>
        %dma_start3A = arith.constant 0 : i32
        %dma_start3A_26 = arith.constant 0 : i32
        %dma_start3A_27 = tpu.memref_slice %arg6[%arg0, %dma_start3A, %dma_start3A_26] : memref<2x10000x64xf32, #tpu.memory_space<hbm>> -> memref<1x10000x64xf32, #tpu.memory_space<hbm>>
        %dma_start3A_28 = tpu.memref_squeeze %dma_start3A_27 : memref<1x10000x64xf32, #tpu.memory_space<hbm>> -> memref<10000x64xf32, #tpu.memory_space<hbm>>
        %dma_start3A_29 = arith.constant 9360 : i32
        %dma_start3A_30 = arith.constant 0 : i32
        %dma_start3A_31 = tpu.memref_slice %dma_start3A_28[%dma_start3A_29, %dma_start3A_30] : memref<10000x64xf32, #tpu.memory_space<hbm>> -> memref<640x64xf32, #tpu.memory_space<hbm>>
        %dma_start3A_32 = arith.constant 9360 : i32
        %dma_start3A_33 = arith.constant 0 : i32
        %dma_start3A_34 = tpu.memref_slice %arg11[%dma_start3A_32, %dma_start3A_33] : memref<10000x64xf32, #tpu.memory_space<vmem_shared>> -> memref<640x64xf32, #tpu.memory_space<vmem_shared>>
        tpu.enqueue_dma source(%dma_start3A_34 : memref<640x64xf32, #tpu.memory_space<vmem_shared>>) target(%dma_start3A_31 : memref<640x64xf32, #tpu.memory_space<hbm>>) target_semaphore(%run_scoped3A : memref<!tpu.dma_semaphore, #tpu.memory_space<semaphore_mem>>)
        %dma_wait3A = arith.constant 0 : i32
        %dma_wait3A_35 = arith.constant 0 : i32
        %dma_wait3A_36 = tpu.memref_slice %arg6[%arg0, %dma_wait3A, %dma_wait3A_35] : memref<2x10000x64xf32, #tpu.memory_space<hbm>> -> memref<1x10000x64xf32, #tpu.memory_space<hbm>>
        %dma_wait3A_37 = tpu.memref_squeeze %dma_wait3A_36 : memref<1x10000x64xf32, #tpu.memory_space<hbm>> -> memref<10000x64xf32, #tpu.memory_space<hbm>>
        %dma_wait3A_38 = arith.constant 9360 : i32
        %dma_wait3A_39 = arith.constant 0 : i32
        %dma_wait3A_40 = tpu.memref_slice %dma_wait3A_37[%dma_wait3A_38, %dma_wait3A_39] : memref<10000x64xf32, #tpu.memory_space<hbm>> -> memref<640x64xf32, #tpu.memory_space<hbm>>
        %dma_wait3A_41 = arith.constant 9360 : i32
        %dma_wait3A_42 = arith.constant 0 : i32
        %dma_wait3A_43 = tpu.memref_slice %arg11[%dma_wait3A_41, %dma_wait3A_42] : memref<10000x64xf32, #tpu.memory_space<vmem_shared>> -> memref<640x64xf32, #tpu.memory_space<vmem_shared>>
        tpu.wait_dma2 semaphore(%run_scoped3A : memref<!tpu.dma_semaphore, #tpu.memory_space<semaphore_mem>>) src(%dma_wait3A_43 : memref<640x64xf32, #tpu.memory_space<vmem_shared>>) dst(%dma_wait3A_40 : memref<640x64xf32, #tpu.memory_space<hbm>>)
        tpu.yield
      }) : () -> ()
    } else {
    }
    return
  }
}

#map = affine_map<(d0, d1) -> (0, 0)>
#map1 = affine_map<(d0, d1) -> (0, 0, 0)>
module attributes {stable_mosaic.version = 14 : i64} {
  func.func @_pair_body(%arg0: i32, %arg1: i32, %arg2: memref<10000x128xf32, #tpu.memory_space<hbm>>, %arg3: memref<10000x128xf32, #tpu.memory_space<hbm>>, %arg4: memref<32x25x128xi32, #tpu.memory_space<hbm>>, %arg5: memref<32x25x128xi32, #tpu.memory_space<hbm>>, %arg6: memref<102400x128xf32, #tpu.memory_space<hbm>>, %arg7: memref<25x128xi32, #tpu.memory_space<vmem>>, %arg8: memref<25x128xi32, #tpu.memory_space<vmem>>, %arg9: memref<128x128xf32, #tpu.memory_space<vmem>>, %arg10: memref<128x128xf32, #tpu.memory_space<vmem>>, %arg11: memref<!tpu.dma_semaphore, #tpu.memory_space<semaphore_mem>>, %arg12: memref<!tpu.dma_semaphore, #tpu.memory_space<semaphore_mem>>) attributes {dimension_semantics = [#tpu.dimension_semantics<core_parallel>, #tpu.dimension_semantics<subcore_parallel>], iteration_bounds = array<i64: 2, 16>, scalar_prefetch = 0 : i64, scratch_operands = 6 : i64, tpu.core_type = #tpu.core_type<sc_vector_subcore>, window_params = [{transform_indices = #map}, {transform_indices = #map}, {transform_indices = #map1}, {transform_indices = #map1}, {transform_indices = #map}]} {
    %mul3A = arith.constant 16 : i32
    %mul3A_0 = arith.muli %arg0, %mul3A : i32
    %add3A = arith.addi %mul3A_0, %arg1 : i32
    %mul3A_1 = arith.constant 3200 : i32
    %mul3A_2 = arith.muli %add3A, %mul3A_1 : i32
    "tpu.region"() ({
      %run_scoped3A = tpu.sem_alloc : memref<!tpu.dma_semaphore, #tpu.memory_space<semaphore_mem>>
      %dma_start3A = arith.constant 0 : i32
      %dma_start3A_8 = arith.constant 0 : i32
      %dma_start3A_9 = tpu.memref_slice %arg4[%add3A, %dma_start3A, %dma_start3A_8] : memref<32x25x128xi32, #tpu.memory_space<hbm>> -> memref<1x25x128xi32, #tpu.memory_space<hbm>>
      %dma_start3A_10 = tpu.memref_squeeze %dma_start3A_9 : memref<1x25x128xi32, #tpu.memory_space<hbm>> -> memref<25x128xi32, #tpu.memory_space<hbm>>
      %dma_start3A_11 = arith.constant 0 : i32
      %dma_start3A_12 = arith.constant 0 : i32
      %dma_start3A_13 = tpu.memref_slice %arg4[%add3A, %dma_start3A_11, %dma_start3A_12] : memref<32x25x128xi32, #tpu.memory_space<hbm>> -> memref<1x25x128xi32, #tpu.memory_space<hbm>>
      %dma_start3A_14 = tpu.memref_squeeze %dma_start3A_13 : memref<1x25x128xi32, #tpu.memory_space<hbm>> -> memref<25x128xi32, #tpu.memory_space<hbm>>
      tpu.enqueue_dma source(%dma_start3A_14 : memref<25x128xi32, #tpu.memory_space<hbm>>) target(%arg7 : memref<25x128xi32, #tpu.memory_space<vmem>>) target_semaphore(%run_scoped3A : memref<!tpu.dma_semaphore, #tpu.memory_space<semaphore_mem>>)
      %dma_wait3A = arith.constant 0 : i32
      %dma_wait3A_15 = arith.constant 0 : i32
      %dma_wait3A_16 = tpu.memref_slice %arg4[%add3A, %dma_wait3A, %dma_wait3A_15] : memref<32x25x128xi32, #tpu.memory_space<hbm>> -> memref<1x25x128xi32, #tpu.memory_space<hbm>>
      %dma_wait3A_17 = tpu.memref_squeeze %dma_wait3A_16 : memref<1x25x128xi32, #tpu.memory_space<hbm>> -> memref<25x128xi32, #tpu.memory_space<hbm>>
      %dma_wait3A_18 = arith.constant 0 : i32
      %dma_wait3A_19 = arith.constant 0 : i32
      %dma_wait3A_20 = tpu.memref_slice %arg4[%add3A, %dma_wait3A_18, %dma_wait3A_19] : memref<32x25x128xi32, #tpu.memory_space<hbm>> -> memref<1x25x128xi32, #tpu.memory_space<hbm>>
      %dma_wait3A_21 = tpu.memref_squeeze %dma_wait3A_20 : memref<1x25x128xi32, #tpu.memory_space<hbm>> -> memref<25x128xi32, #tpu.memory_space<hbm>>
      tpu.wait_dma2 semaphore(%run_scoped3A : memref<!tpu.dma_semaphore, #tpu.memory_space<semaphore_mem>>) src(%dma_wait3A_21 : memref<25x128xi32, #tpu.memory_space<hbm>>) dst(%arg7 : memref<25x128xi32, #tpu.memory_space<vmem>>)
      tpu.yield
    }) : () -> ()
    "tpu.region"() ({
      %run_scoped3A = tpu.sem_alloc : memref<!tpu.dma_semaphore, #tpu.memory_space<semaphore_mem>>
      %dma_start3A = arith.constant 0 : i32
      %dma_start3A_8 = arith.constant 0 : i32
      %dma_start3A_9 = tpu.memref_slice %arg5[%add3A, %dma_start3A, %dma_start3A_8] : memref<32x25x128xi32, #tpu.memory_space<hbm>> -> memref<1x25x128xi32, #tpu.memory_space<hbm>>
      %dma_start3A_10 = tpu.memref_squeeze %dma_start3A_9 : memref<1x25x128xi32, #tpu.memory_space<hbm>> -> memref<25x128xi32, #tpu.memory_space<hbm>>
      %dma_start3A_11 = arith.constant 0 : i32
      %dma_start3A_12 = arith.constant 0 : i32
      %dma_start3A_13 = tpu.memref_slice %arg5[%add3A, %dma_start3A_11, %dma_start3A_12] : memref<32x25x128xi32, #tpu.memory_space<hbm>> -> memref<1x25x128xi32, #tpu.memory_space<hbm>>
      %dma_start3A_14 = tpu.memref_squeeze %dma_start3A_13 : memref<1x25x128xi32, #tpu.memory_space<hbm>> -> memref<25x128xi32, #tpu.memory_space<hbm>>
      tpu.enqueue_dma source(%dma_start3A_14 : memref<25x128xi32, #tpu.memory_space<hbm>>) target(%arg8 : memref<25x128xi32, #tpu.memory_space<vmem>>) target_semaphore(%run_scoped3A : memref<!tpu.dma_semaphore, #tpu.memory_space<semaphore_mem>>)
      %dma_wait3A = arith.constant 0 : i32
      %dma_wait3A_15 = arith.constant 0 : i32
      %dma_wait3A_16 = tpu.memref_slice %arg5[%add3A, %dma_wait3A, %dma_wait3A_15] : memref<32x25x128xi32, #tpu.memory_space<hbm>> -> memref<1x25x128xi32, #tpu.memory_space<hbm>>
      %dma_wait3A_17 = tpu.memref_squeeze %dma_wait3A_16 : memref<1x25x128xi32, #tpu.memory_space<hbm>> -> memref<25x128xi32, #tpu.memory_space<hbm>>
      %dma_wait3A_18 = arith.constant 0 : i32
      %dma_wait3A_19 = arith.constant 0 : i32
      %dma_wait3A_20 = tpu.memref_slice %arg5[%add3A, %dma_wait3A_18, %dma_wait3A_19] : memref<32x25x128xi32, #tpu.memory_space<hbm>> -> memref<1x25x128xi32, #tpu.memory_space<hbm>>
      %dma_wait3A_21 = tpu.memref_squeeze %dma_wait3A_20 : memref<1x25x128xi32, #tpu.memory_space<hbm>> -> memref<25x128xi32, #tpu.memory_space<hbm>>
      tpu.wait_dma2 semaphore(%run_scoped3A : memref<!tpu.dma_semaphore, #tpu.memory_space<semaphore_mem>>) src(%dma_wait3A_21 : memref<25x128xi32, #tpu.memory_space<hbm>>) dst(%arg8 : memref<25x128xi32, #tpu.memory_space<vmem>>)
      tpu.yield
    }) : () -> ()
    %scan3A = arith.constant 0 : i32
    %scan3A_3 = arith.constant 0 : i32
    %scan3A_4 = arith.constant 25 : i32
    %scan3A_5 = arith.addi %scan3A_3, %scan3A_4 : i32
    %scan3A_6 = arith.constant 1 : i32
    scf.for %scan3A_8 = %scan3A_3 to %scan3A_5 step %scan3A_6  : i32 {
      %dma_start3A = arith.constant 0 : i32
      %dma_start3A_9 = tpu.memref_slice %arg7[%scan3A_8, %dma_start3A] : memref<25x128xi32, #tpu.memory_space<vmem>> -> memref<1x128xi32, #tpu.memory_space<vmem>>
      %dma_start3A_10 = tpu.memref_squeeze %dma_start3A_9 : memref<1x128xi32, #tpu.memory_space<vmem>> -> memref<128xi32, #tpu.memory_space<vmem>>
      %dma_start3A_11 = arith.constant 0 : i32
      %dma_start3A_12 = arith.constant 0 : i32
      %dma_start3A_13 = tpu.memref_slice %arg2[%dma_start3A_11, %dma_start3A_12] : memref<10000x128xf32, #tpu.memory_space<hbm>> -> memref<10000x128xf32, #tpu.memory_space<hbm>>
      tpu.enqueue_indirect_dma source(%dma_start3A_13 : memref<10000x128xf32, #tpu.memory_space<hbm>>) target(%arg9 : memref<128x128xf32, #tpu.memory_space<vmem>>) offsets(%dma_start3A_10 : memref<128xi32, #tpu.memory_space<vmem>>) semaphore(%arg11 : memref<!tpu.dma_semaphore, #tpu.memory_space<semaphore_mem>>)
      %dma_start3A_14 = arith.constant 0 : i32
      %dma_start3A_15 = tpu.memref_slice %arg8[%scan3A_8, %dma_start3A_14] : memref<25x128xi32, #tpu.memory_space<vmem>> -> memref<1x128xi32, #tpu.memory_space<vmem>>
      %dma_start3A_16 = tpu.memref_squeeze %dma_start3A_15 : memref<1x128xi32, #tpu.memory_space<vmem>> -> memref<128xi32, #tpu.memory_space<vmem>>
      %dma_start3A_17 = arith.constant 0 : i32
      %dma_start3A_18 = arith.constant 0 : i32
      %dma_start3A_19 = tpu.memref_slice %arg3[%dma_start3A_17, %dma_start3A_18] : memref<10000x128xf32, #tpu.memory_space<hbm>> -> memref<10000x128xf32, #tpu.memory_space<hbm>>
      tpu.enqueue_indirect_dma source(%dma_start3A_19 : memref<10000x128xf32, #tpu.memory_space<hbm>>) target(%arg10 : memref<128x128xf32, #tpu.memory_space<vmem>>) offsets(%dma_start3A_16 : memref<128xi32, #tpu.memory_space<vmem>>) semaphore(%arg12 : memref<!tpu.dma_semaphore, #tpu.memory_space<semaphore_mem>>)
      %dma_wait3A = arith.constant 0 : i32
      %dma_wait3A_20 = tpu.memref_slice %arg7[%scan3A_8, %dma_wait3A] : memref<25x128xi32, #tpu.memory_space<vmem>> -> memref<1x128xi32, #tpu.memory_space<vmem>>
      %dma_wait3A_21 = tpu.memref_squeeze %dma_wait3A_20 : memref<1x128xi32, #tpu.memory_space<vmem>> -> memref<128xi32, #tpu.memory_space<vmem>>
      %dma_wait3A_22 = arith.constant 0 : i32
      %dma_wait3A_23 = arith.constant 0 : i32
      %dma_wait3A_24 = tpu.memref_slice %arg2[%dma_wait3A_22, %dma_wait3A_23] : memref<10000x128xf32, #tpu.memory_space<hbm>> -> memref<10000x128xf32, #tpu.memory_space<hbm>>
      tpu.wait_indirect_dma semaphore(%arg11 : memref<!tpu.dma_semaphore, #tpu.memory_space<semaphore_mem>>) src(%dma_wait3A_24 : memref<10000x128xf32, #tpu.memory_space<hbm>>) dst(%arg9 : memref<128x128xf32, #tpu.memory_space<vmem>>)
      %dma_wait3A_25 = arith.constant 0 : i32
      %dma_wait3A_26 = tpu.memref_slice %arg8[%scan3A_8, %dma_wait3A_25] : memref<25x128xi32, #tpu.memory_space<vmem>> -> memref<1x128xi32, #tpu.memory_space<vmem>>
      %dma_wait3A_27 = tpu.memref_squeeze %dma_wait3A_26 : memref<1x128xi32, #tpu.memory_space<vmem>> -> memref<128xi32, #tpu.memory_space<vmem>>
      %dma_wait3A_28 = arith.constant 0 : i32
      %dma_wait3A_29 = arith.constant 0 : i32
      %dma_wait3A_30 = tpu.memref_slice %arg3[%dma_wait3A_28, %dma_wait3A_29] : memref<10000x128xf32, #tpu.memory_space<hbm>> -> memref<10000x128xf32, #tpu.memory_space<hbm>>
      tpu.wait_indirect_dma semaphore(%arg12 : memref<!tpu.dma_semaphore, #tpu.memory_space<semaphore_mem>>) src(%dma_wait3A_30 : memref<10000x128xf32, #tpu.memory_space<hbm>>) dst(%arg10 : memref<128x128xf32, #tpu.memory_space<vmem>>)
      %scan3A_31 = arith.constant 0 : i32
      %scan3A_32 = arith.constant 0 : i32
      %scan3A_33 = arith.constant 128 : i32
      %scan3A_34 = arith.addi %scan3A_32, %scan3A_33 : i32
      %scan3A_35 = arith.constant 1 : i32
      scf.for %scan3A_40 = %scan3A_32 to %scan3A_34 step %scan3A_35  : i32 {
        %get3A = arith.index_cast %scan3A_40 : i32 to index
        %get3A_41 = arith.constant 0 : index
        %get3A_42 = tpu.vector_load %arg9[%get3A, %get3A_41] {strides = array<i32>} : memref<128x128xf32, #tpu.memory_space<vmem>>, vector<1x16xf32>,
        %get3A_43 = vector.shape_cast %get3A_42 : vector<1x16xf32> to vector<16xf32>
        %get3A_44 = arith.index_cast %scan3A_40 : i32 to index
        %get3A_45 = arith.constant 0 : index
        %get3A_46 = tpu.vector_load %arg10[%get3A_44, %get3A_45] {strides = array<i32>} : memref<128x128xf32, #tpu.memory_space<vmem>>, vector<1x16xf32>,
        %get3A_47 = vector.shape_cast %get3A_46 : vector<1x16xf32> to vector<16xf32>
        %add3A_48 = arith.addf %get3A_43, %get3A_47 : vector<16xf32>
        %swap3A = arith.index_cast %scan3A_40 : i32 to index
        %swap3A_49 = arith.constant 0 : index
        %swap3A_50 = tpu.vector_load %arg9[%swap3A, %swap3A_49] {strides = array<i32>} : memref<128x128xf32, #tpu.memory_space<vmem>>, vector<1x16xf32>,
        %swap3A_51 = vector.shape_cast %swap3A_50 : vector<1x16xf32> to vector<16xf32>
        %swap3A_52 = vector.shape_cast %add3A_48 : vector<16xf32> to vector<1x16xf32>
        tpu.vector_store %arg9[%swap3A, %swap3A_49], %swap3A_52 {strides = array<i32>} : memref<128x128xf32, #tpu.memory_space<vmem>>, vector<1x16xf32>,
        %get3A_53 = arith.index_cast %scan3A_40 : i32 to index
        %get3A_54 = arith.constant 16 : index
        %get3A_55 = tpu.vector_load %arg9[%get3A_53, %get3A_54] {strides = array<i32>} : memref<128x128xf32, #tpu.memory_space<vmem>>, vector<1x16xf32>,
        %get3A_56 = vector.shape_cast %get3A_55 : vector<1x16xf32> to vector<16xf32>
        %get3A_57 = arith.index_cast %scan3A_40 : i32 to index
        %get3A_58 = arith.constant 16 : index
        %get3A_59 = tpu.vector_load %arg10[%get3A_57, %get3A_58] {strides = array<i32>} : memref<128x128xf32, #tpu.memory_space<vmem>>, vector<1x16xf32>,
        %get3A_60 = vector.shape_cast %get3A_59 : vector<1x16xf32> to vector<16xf32>
        %add3A_61 = arith.addf %get3A_56, %get3A_60 : vector<16xf32>
        %swap3A_62 = arith.index_cast %scan3A_40 : i32 to index
        %swap3A_63 = arith.constant 16 : index
        %swap3A_64 = tpu.vector_load %arg9[%swap3A_62, %swap3A_63] {strides = array<i32>} : memref<128x128xf32, #tpu.memory_space<vmem>>, vector<1x16xf32>,
        %swap3A_65 = vector.shape_cast %swap3A_64 : vector<1x16xf32> to vector<16xf32>
        %swap3A_66 = vector.shape_cast %add3A_61 : vector<16xf32> to vector<1x16xf32>
        tpu.vector_store %arg9[%swap3A_62, %swap3A_63], %swap3A_66 {strides = array<i32>} : memref<128x128xf32, #tpu.memory_space<vmem>>, vector<1x16xf32>,
        %get3A_67 = arith.index_cast %scan3A_40 : i32 to index
        %get3A_68 = arith.constant 32 : index
        %get3A_69 = tpu.vector_load %arg9[%get3A_67, %get3A_68] {strides = array<i32>} : memref<128x128xf32, #tpu.memory_space<vmem>>, vector<1x16xf32>,
        %get3A_70 = vector.shape_cast %get3A_69 : vector<1x16xf32> to vector<16xf32>
        %get3A_71 = arith.index_cast %scan3A_40 : i32 to index
        %get3A_72 = arith.constant 32 : index
        %get3A_73 = tpu.vector_load %arg10[%get3A_71, %get3A_72] {strides = array<i32>} : memref<128x128xf32, #tpu.memory_space<vmem>>, vector<1x16xf32>,
        %get3A_74 = vector.shape_cast %get3A_73 : vector<1x16xf32> to vector<16xf32>
        %add3A_75 = arith.addf %get3A_70, %get3A_74 : vector<16xf32>
        %swap3A_76 = arith.index_cast %scan3A_40 : i32 to index
        %swap3A_77 = arith.constant 32 : index
        %swap3A_78 = tpu.vector_load %arg9[%swap3A_76, %swap3A_77] {strides = array<i32>} : memref<128x128xf32, #tpu.memory_space<vmem>>, vector<1x16xf32>,
        %swap3A_79 = vector.shape_cast %swap3A_78 : vector<1x16xf32> to vector<16xf32>
        %swap3A_80 = vector.shape_cast %add3A_75 : vector<16xf32> to vector<1x16xf32>
        tpu.vector_store %arg9[%swap3A_76, %swap3A_77], %swap3A_80 {strides = array<i32>} : memref<128x128xf32, #tpu.memory_space<vmem>>, vector<1x16xf32>,
        %get3A_81 = arith.index_cast %scan3A_40 : i32 to index
        %get3A_82 = arith.constant 48 : index
        %get3A_83 = tpu.vector_load %arg9[%get3A_81, %get3A_82] {strides = array<i32>} : memref<128x128xf32, #tpu.memory_space<vmem>>, vector<1x16xf32>,
        %get3A_84 = vector.shape_cast %get3A_83 : vector<1x16xf32> to vector<16xf32>
        %get3A_85 = arith.index_cast %scan3A_40 : i32 to index
        %get3A_86 = arith.constant 48 : index
        %get3A_87 = tpu.vector_load %arg10[%get3A_85, %get3A_86] {strides = array<i32>} : memref<128x128xf32, #tpu.memory_space<vmem>>, vector<1x16xf32>,
        %get3A_88 = vector.shape_cast %get3A_87 : vector<1x16xf32> to vector<16xf32>
        %add3A_89 = arith.addf %get3A_84, %get3A_88 : vector<16xf32>
        %swap3A_90 = arith.index_cast %scan3A_40 : i32 to index
        %swap3A_91 = arith.constant 48 : index
        %swap3A_92 = tpu.vector_load %arg9[%swap3A_90, %swap3A_91] {strides = array<i32>} : memref<128x128xf32, #tpu.memory_space<vmem>>, vector<1x16xf32>,
        %swap3A_93 = vector.shape_cast %swap3A_92 : vector<1x16xf32> to vector<16xf32>
        %swap3A_94 = vector.shape_cast %add3A_89 : vector<16xf32> to vector<1x16xf32>
        tpu.vector_store %arg9[%swap3A_90, %swap3A_91], %swap3A_94 {strides = array<i32>} : memref<128x128xf32, #tpu.memory_space<vmem>>, vector<1x16xf32>,
        %get3A_95 = arith.index_cast %scan3A_40 : i32 to index
        %get3A_96 = arith.constant 64 : index
        %get3A_97 = tpu.vector_load %arg9[%get3A_95, %get3A_96] {strides = array<i32>} : memref<128x128xf32, #tpu.memory_space<vmem>>, vector<1x16xf32>,
        %get3A_98 = vector.shape_cast %get3A_97 : vector<1x16xf32> to vector<16xf32>
        %get3A_99 = arith.index_cast %scan3A_40 : i32 to index
        %get3A_100 = arith.constant 64 : index
        %get3A_101 = tpu.vector_load %arg10[%get3A_99, %get3A_100] {strides = array<i32>} : memref<128x128xf32, #tpu.memory_space<vmem>>, vector<1x16xf32>,
        %get3A_102 = vector.shape_cast %get3A_101 : vector<1x16xf32> to vector<16xf32>
        %add3A_103 = arith.addf %get3A_98, %get3A_102 : vector<16xf32>
        %swap3A_104 = arith.index_cast %scan3A_40 : i32 to index
        %swap3A_105 = arith.constant 64 : index
        %swap3A_106 = tpu.vector_load %arg9[%swap3A_104, %swap3A_105] {strides = array<i32>} : memref<128x128xf32, #tpu.memory_space<vmem>>, vector<1x16xf32>,
        %swap3A_107 = vector.shape_cast %swap3A_106 : vector<1x16xf32> to vector<16xf32>
        %swap3A_108 = vector.shape_cast %add3A_103 : vector<16xf32> to vector<1x16xf32>
        tpu.vector_store %arg9[%swap3A_104, %swap3A_105], %swap3A_108 {strides = array<i32>} : memref<128x128xf32, #tpu.memory_space<vmem>>, vector<1x16xf32>,
        %get3A_109 = arith.index_cast %scan3A_40 : i32 to index
        %get3A_110 = arith.constant 80 : index
        %get3A_111 = tpu.vector_load %arg9[%get3A_109, %get3A_110] {strides = array<i32>} : memref<128x128xf32, #tpu.memory_space<vmem>>, vector<1x16xf32>,
        %get3A_112 = vector.shape_cast %get3A_111 : vector<1x16xf32> to vector<16xf32>
        %get3A_113 = arith.index_cast %scan3A_40 : i32 to index
        %get3A_114 = arith.constant 80 : index
        %get3A_115 = tpu.vector_load %arg10[%get3A_113, %get3A_114] {strides = array<i32>} : memref<128x128xf32, #tpu.memory_space<vmem>>, vector<1x16xf32>,
        %get3A_116 = vector.shape_cast %get3A_115 : vector<1x16xf32> to vector<16xf32>
        %add3A_117 = arith.addf %get3A_112, %get3A_116 : vector<16xf32>
        %swap3A_118 = arith.index_cast %scan3A_40 : i32 to index
        %swap3A_119 = arith.constant 80 : index
        %swap3A_120 = tpu.vector_load %arg9[%swap3A_118, %swap3A_119] {strides = array<i32>} : memref<128x128xf32, #tpu.memory_space<vmem>>, vector<1x16xf32>,
        %swap3A_121 = vector.shape_cast %swap3A_120 : vector<1x16xf32> to vector<16xf32>
        %swap3A_122 = vector.shape_cast %add3A_117 : vector<16xf32> to vector<1x16xf32>
        tpu.vector_store %arg9[%swap3A_118, %swap3A_119], %swap3A_122 {strides = array<i32>} : memref<128x128xf32, #tpu.memory_space<vmem>>, vector<1x16xf32>,
        %get3A_123 = arith.index_cast %scan3A_40 : i32 to index
        %get3A_124 = arith.constant 96 : index
        %get3A_125 = tpu.vector_load %arg9[%get3A_123, %get3A_124] {strides = array<i32>} : memref<128x128xf32, #tpu.memory_space<vmem>>, vector<1x16xf32>,
        %get3A_126 = vector.shape_cast %get3A_125 : vector<1x16xf32> to vector<16xf32>
        %get3A_127 = arith.index_cast %scan3A_40 : i32 to index
        %get3A_128 = arith.constant 96 : index
        %get3A_129 = tpu.vector_load %arg10[%get3A_127, %get3A_128] {strides = array<i32>} : memref<128x128xf32, #tpu.memory_space<vmem>>, vector<1x16xf32>,
        %get3A_130 = vector.shape_cast %get3A_129 : vector<1x16xf32> to vector<16xf32>
        %add3A_131 = arith.addf %get3A_126, %get3A_130 : vector<16xf32>
        %swap3A_132 = arith.index_cast %scan3A_40 : i32 to index
        %swap3A_133 = arith.constant 96 : index
        %swap3A_134 = tpu.vector_load %arg9[%swap3A_132, %swap3A_133] {strides = array<i32>} : memref<128x128xf32, #tpu.memory_space<vmem>>, vector<1x16xf32>,
        %swap3A_135 = vector.shape_cast %swap3A_134 : vector<1x16xf32> to vector<16xf32>
        %swap3A_136 = vector.shape_cast %add3A_131 : vector<16xf32> to vector<1x16xf32>
        tpu.vector_store %arg9[%swap3A_132, %swap3A_133], %swap3A_136 {strides = array<i32>} : memref<128x128xf32, #tpu.memory_space<vmem>>, vector<1x16xf32>,
        %get3A_137 = arith.index_cast %scan3A_40 : i32 to index
        %get3A_138 = arith.constant 112 : index
        %get3A_139 = tpu.vector_load %arg9[%get3A_137, %get3A_138] {strides = array<i32>} : memref<128x128xf32, #tpu.memory_space<vmem>>, vector<1x16xf32>,
        %get3A_140 = vector.shape_cast %get3A_139 : vector<1x16xf32> to vector<16xf32>
        %get3A_141 = arith.index_cast %scan3A_40 : i32 to index
        %get3A_142 = arith.constant 112 : index
        %get3A_143 = tpu.vector_load %arg10[%get3A_141, %get3A_142] {strides = array<i32>} : memref<128x128xf32, #tpu.memory_space<vmem>>, vector<1x16xf32>,
        %get3A_144 = vector.shape_cast %get3A_143 : vector<1x16xf32> to vector<16xf32>
        %add3A_145 = arith.addf %get3A_140, %get3A_144 : vector<16xf32>
        %swap3A_146 = arith.index_cast %scan3A_40 : i32 to index
        %swap3A_147 = arith.constant 112 : index
        %swap3A_148 = tpu.vector_load %arg9[%swap3A_146, %swap3A_147] {strides = array<i32>} : memref<128x128xf32, #tpu.memory_space<vmem>>, vector<1x16xf32>,
        %swap3A_149 = vector.shape_cast %swap3A_148 : vector<1x16xf32> to vector<16xf32>
        %swap3A_150 = vector.shape_cast %add3A_145 : vector<16xf32> to vector<1x16xf32>
        tpu.vector_store %arg9[%swap3A_146, %swap3A_147], %swap3A_150 {strides = array<i32>} : memref<128x128xf32, #tpu.memory_space<vmem>>, vector<1x16xf32>,
      }
      %scan3A_36 = arith.constant 128 : i32
      %mul3A_37 = arith.constant 128 : i32
      %mul3A_38 = arith.muli %scan3A_8, %mul3A_37 : i32
      %add3A_39 = arith.addi %mul3A_2, %mul3A_38 : i32
      "tpu.region"() ({
        %run_scoped3A = tpu.sem_alloc : memref<!tpu.dma_semaphore, #tpu.memory_space<semaphore_mem>>
        %dma_start3A_40 = arith.constant 0 : i32
        %dma_start3A_41 = tpu.memref_slice %arg6[%add3A_39, %dma_start3A_40] : memref<102400x128xf32, #tpu.memory_space<hbm>> -> memref<128x128xf32, #tpu.memory_space<hbm>>
        %dma_start3A_42 = arith.constant 0 : i32
        %dma_start3A_43 = tpu.memref_slice %arg6[%add3A_39, %dma_start3A_42] : memref<102400x128xf32, #tpu.memory_space<hbm>> -> memref<128x128xf32, #tpu.memory_space<hbm>>
        tpu.enqueue_dma source(%arg9 : memref<128x128xf32, #tpu.memory_space<vmem>>) target(%dma_start3A_43 : memref<128x128xf32, #tpu.memory_space<hbm>>) target_semaphore(%run_scoped3A : memref<!tpu.dma_semaphore, #tpu.memory_space<semaphore_mem>>)
        %dma_wait3A_44 = arith.constant 0 : i32
        %dma_wait3A_45 = tpu.memref_slice %arg6[%add3A_39, %dma_wait3A_44] : memref<102400x128xf32, #tpu.memory_space<hbm>> -> memref<128x128xf32, #tpu.memory_space<hbm>>
        %dma_wait3A_46 = arith.constant 0 : i32
        %dma_wait3A_47 = tpu.memref_slice %arg6[%add3A_39, %dma_wait3A_46] : memref<102400x128xf32, #tpu.memory_space<hbm>> -> memref<128x128xf32, #tpu.memory_space<hbm>>
        tpu.wait_dma2 semaphore(%run_scoped3A : memref<!tpu.dma_semaphore, #tpu.memory_space<semaphore_mem>>) src(%arg9 : memref<128x128xf32, #tpu.memory_space<vmem>>) dst(%dma_wait3A_47 : memref<128x128xf32, #tpu.memory_space<hbm>>)
        tpu.yield
      }) : () -> ()
    }
    %scan3A_7 = arith.constant 25 : i32
    return
  }
}

#map = affine_map<(d0, d1) -> (0, 0, 0)>
#map1 = affine_map<(d0, d1) -> (0, 0)>
module attributes {stable_mosaic.version = 14 : i64} {
  func.func @_segsum_body(%arg0: i32, %arg1: i32, %arg2: memref<2x10000x64xf32, #tpu.memory_space<hbm>>, %arg3: memref<16x200x100xi32, #tpu.memory_space<hbm>>, %arg4: memref<16x200x100xi32, #tpu.memory_space<hbm>>, %arg5: memref<10000x64xf32, #tpu.memory_space<hbm>>, %arg6: memref<2x10000x64xf32, #tpu.memory_space<hbm>>, %arg7: memref<200x100xi32, #tpu.memory_space<vmem>>, %arg8: memref<200x100xi32, #tpu.memory_space<vmem>>, %arg9: memref<100x64xf32, #tpu.memory_space<vmem>>, %arg10: memref<100x64xf32, #tpu.memory_space<vmem>>, %arg11: memref<10000x64xf32, #tpu.memory_space<vmem_shared>>, %arg12: memref<!tpu.dma_semaphore, #tpu.memory_space<semaphore_mem>>, %arg13: memref<!tpu.dma_semaphore, #tpu.memory_space<semaphore_mem>>) attributes {dimension_semantics = [#tpu.dimension_semantics<core_parallel>, #tpu.dimension_semantics<subcore_parallel>], iteration_bounds = array<i64: 2, 16>, scalar_prefetch = 0 : i64, scratch_operands = 7 : i64, tpu.core_type = #tpu.core_type<sc_vector_subcore>, window_params = [{transform_indices = #map}, {transform_indices = #map}, {transform_indices = #map}, {transform_indices = #map1}, {transform_indices = #map}]} {
    %mul3A = arith.constant 624 : i32
    %mul3A_0 = arith.muli %arg1, %mul3A : i32
    %multiple_of3A = tpu.assume_multiple %mul3A_0, 8 : i32
    %lt3A = arith.constant 15 : i32
    %lt3A_1 = arith.cmpi slt, %arg1, %lt3A : i32
    %convert_element_type3A = arith.extui %lt3A_1 : i1 to i32
    %cond3A = arith.constant 0 : i32
    %cond3A_2 = arith.cmpi ne, %convert_element_type3A, %cond3A : i32
    scf.if %cond3A_2 {
      "tpu.region"() ({
        %run_scoped3A = tpu.sem_alloc : memref<!tpu.dma_semaphore, #tpu.memory_space<semaphore_mem>>
        %dma_start3A = arith.constant 0 : i32
        %dma_start3A_26 = tpu.memref_slice %arg11[%multiple_of3A, %dma_start3A] : memref<10000x64xf32, #tpu.memory_space<vmem_shared>> -> memref<624x64xf32, #tpu.memory_space<vmem_shared>>
        %dma_start3A_27 = arith.constant 0 : i32
        %dma_start3A_28 = tpu.memref_slice %arg5[%multiple_of3A, %dma_start3A_27] : memref<10000x64xf32, #tpu.memory_space<hbm>> -> memref<624x64xf32, #tpu.memory_space<hbm>>
        tpu.enqueue_dma source(%dma_start3A_28 : memref<624x64xf32, #tpu.memory_space<hbm>>) target(%dma_start3A_26 : memref<624x64xf32, #tpu.memory_space<vmem_shared>>) target_semaphore(%run_scoped3A : memref<!tpu.dma_semaphore, #tpu.memory_space<semaphore_mem>>)
        %dma_wait3A = arith.constant 0 : i32
        %dma_wait3A_29 = tpu.memref_slice %arg11[%multiple_of3A, %dma_wait3A] : memref<10000x64xf32, #tpu.memory_space<vmem_shared>> -> memref<624x64xf32, #tpu.memory_space<vmem_shared>>
        %dma_wait3A_30 = arith.constant 0 : i32
        %dma_wait3A_31 = tpu.memref_slice %arg5[%multiple_of3A, %dma_wait3A_30] : memref<10000x64xf32, #tpu.memory_space<hbm>> -> memref<624x64xf32, #tpu.memory_space<hbm>>
        tpu.wait_dma2 semaphore(%run_scoped3A : memref<!tpu.dma_semaphore, #tpu.memory_space<semaphore_mem>>) src(%dma_wait3A_31 : memref<624x64xf32, #tpu.memory_space<hbm>>) dst(%dma_wait3A_29 : memref<624x64xf32, #tpu.memory_space<vmem_shared>>)
        tpu.yield
      }) : () -> ()
    } else {
    }
    %eq3A = arith.constant 15 : i32
    %eq3A_3 = arith.cmpi eq, %arg1, %eq3A : i32
    %convert_element_type3A_4 = arith.extui %eq3A_3 : i1 to i32
    %cond3A_5 = arith.constant 0 : i32
    %cond3A_6 = arith.cmpi ne, %convert_element_type3A_4, %cond3A_5 : i32
    scf.if %cond3A_6 {
      "tpu.region"() ({
        %run_scoped3A = tpu.sem_alloc : memref<!tpu.dma_semaphore, #tpu.memory_space<semaphore_mem>>
        %dma_start3A = arith.constant 9360 : i32
        %dma_start3A_26 = arith.constant 0 : i32
        %dma_start3A_27 = tpu.memref_slice %arg11[%dma_start3A, %dma_start3A_26] : memref<10000x64xf32, #tpu.memory_space<vmem_shared>> -> memref<640x64xf32, #tpu.memory_space<vmem_shared>>
        %dma_start3A_28 = arith.constant 9360 : i32
        %dma_start3A_29 = arith.constant 0 : i32
        %dma_start3A_30 = tpu.memref_slice %arg5[%dma_start3A_28, %dma_start3A_29] : memref<10000x64xf32, #tpu.memory_space<hbm>> -> memref<640x64xf32, #tpu.memory_space<hbm>>
        tpu.enqueue_dma source(%dma_start3A_30 : memref<640x64xf32, #tpu.memory_space<hbm>>) target(%dma_start3A_27 : memref<640x64xf32, #tpu.memory_space<vmem_shared>>) target_semaphore(%run_scoped3A : memref<!tpu.dma_semaphore, #tpu.memory_space<semaphore_mem>>)
        %dma_wait3A = arith.constant 9360 : i32
        %dma_wait3A_31 = arith.constant 0 : i32
        %dma_wait3A_32 = tpu.memref_slice %arg11[%dma_wait3A, %dma_wait3A_31] : memref<10000x64xf32, #tpu.memory_space<vmem_shared>> -> memref<640x64xf32, #tpu.memory_space<vmem_shared>>
        %dma_wait3A_33 = arith.constant 9360 : i32
        %dma_wait3A_34 = arith.constant 0 : i32
        %dma_wait3A_35 = tpu.memref_slice %arg5[%dma_wait3A_33, %dma_wait3A_34] : memref<10000x64xf32, #tpu.memory_space<hbm>> -> memref<640x64xf32, #tpu.memory_space<hbm>>
        tpu.wait_dma2 semaphore(%run_scoped3A : memref<!tpu.dma_semaphore, #tpu.memory_space<semaphore_mem>>) src(%dma_wait3A_35 : memref<640x64xf32, #tpu.memory_space<hbm>>) dst(%dma_wait3A_32 : memref<640x64xf32, #tpu.memory_space<vmem_shared>>)
        tpu.yield
      }) : () -> ()
    } else {
    }
    "tpu.region"() ({
      %run_scoped3A = tpu.sem_alloc : memref<!tpu.dma_semaphore, #tpu.memory_space<semaphore_mem>>
      %dma_start3A = arith.constant 0 : i32
      %dma_start3A_26 = arith.constant 0 : i32
      %dma_start3A_27 = tpu.memref_slice %arg3[%arg1, %dma_start3A, %dma_start3A_26] : memref<16x200x100xi32, #tpu.memory_space<hbm>> -> memref<1x200x100xi32, #tpu.memory_space<hbm>>
      %dma_start3A_28 = tpu.memref_squeeze %dma_start3A_27 : memref<1x200x100xi32, #tpu.memory_space<hbm>> -> memref<200x100xi32, #tpu.memory_space<hbm>>
      %dma_start3A_29 = arith.constant 0 : i32
      %dma_start3A_30 = arith.constant 0 : i32
      %dma_start3A_31 = tpu.memref_slice %arg3[%arg1, %dma_start3A_29, %dma_start3A_30] : memref<16x200x100xi32, #tpu.memory_space<hbm>> -> memref<1x200x100xi32, #tpu.memory_space<hbm>>
      %dma_start3A_32 = tpu.memref_squeeze %dma_start3A_31 : memref<1x200x100xi32, #tpu.memory_space<hbm>> -> memref<200x100xi32, #tpu.memory_space<hbm>>
      tpu.enqueue_dma source(%dma_start3A_32 : memref<200x100xi32, #tpu.memory_space<hbm>>) target(%arg7 : memref<200x100xi32, #tpu.memory_space<vmem>>) target_semaphore(%run_scoped3A : memref<!tpu.dma_semaphore, #tpu.memory_space<semaphore_mem>>)
      %dma_wait3A = arith.constant 0 : i32
      %dma_wait3A_33 = arith.constant 0 : i32
      %dma_wait3A_34 = tpu.memref_slice %arg3[%arg1, %dma_wait3A, %dma_wait3A_33] : memref<16x200x100xi32, #tpu.memory_space<hbm>> -> memref<1x200x100xi32, #tpu.memory_space<hbm>>
      %dma_wait3A_35 = tpu.memref_squeeze %dma_wait3A_34 : memref<1x200x100xi32, #tpu.memory_space<hbm>> -> memref<200x100xi32, #tpu.memory_space<hbm>>
      %dma_wait3A_36 = arith.constant 0 : i32
      %dma_wait3A_37 = arith.constant 0 : i32
      %dma_wait3A_38 = tpu.memref_slice %arg3[%arg1, %dma_wait3A_36, %dma_wait3A_37] : memref<16x200x100xi32, #tpu.memory_space<hbm>> -> memref<1x200x100xi32, #tpu.memory_space<hbm>>
      %dma_wait3A_39 = tpu.memref_squeeze %dma_wait3A_38 : memref<1x200x100xi32, #tpu.memory_space<hbm>> -> memref<200x100xi32, #tpu.memory_space<hbm>>
      tpu.wait_dma2 semaphore(%run_scoped3A : memref<!tpu.dma_semaphore, #tpu.memory_space<semaphore_mem>>) src(%dma_wait3A_39 : memref<200x100xi32, #tpu.memory_space<hbm>>) dst(%arg7 : memref<200x100xi32, #tpu.memory_space<vmem>>)
      tpu.yield
    }) : () -> ()
    "tpu.region"() ({
      %run_scoped3A = tpu.sem_alloc : memref<!tpu.dma_semaphore, #tpu.memory_space<semaphore_mem>>
      %dma_start3A = arith.constant 0 : i32
      %dma_start3A_26 = arith.constant 0 : i32
      %dma_start3A_27 = tpu.memref_slice %arg4[%arg1, %dma_start3A, %dma_start3A_26] : memref<16x200x100xi32, #tpu.memory_space<hbm>> -> memref<1x200x100xi32, #tpu.memory_space<hbm>>
      %dma_start3A_28 = tpu.memref_squeeze %dma_start3A_27 : memref<1x200x100xi32, #tpu.memory_space<hbm>> -> memref<200x100xi32, #tpu.memory_space<hbm>>
      %dma_start3A_29 = arith.constant 0 : i32
      %dma_start3A_30 = arith.constant 0 : i32
      %dma_start3A_31 = tpu.memref_slice %arg4[%arg1, %dma_start3A_29, %dma_start3A_30] : memref<16x200x100xi32, #tpu.memory_space<hbm>> -> memref<1x200x100xi32, #tpu.memory_space<hbm>>
      %dma_start3A_32 = tpu.memref_squeeze %dma_start3A_31 : memref<1x200x100xi32, #tpu.memory_space<hbm>> -> memref<200x100xi32, #tpu.memory_space<hbm>>
      tpu.enqueue_dma source(%dma_start3A_32 : memref<200x100xi32, #tpu.memory_space<hbm>>) target(%arg8 : memref<200x100xi32, #tpu.memory_space<vmem>>) target_semaphore(%run_scoped3A : memref<!tpu.dma_semaphore, #tpu.memory_space<semaphore_mem>>)
      %dma_wait3A = arith.constant 0 : i32
      %dma_wait3A_33 = arith.constant 0 : i32
      %dma_wait3A_34 = tpu.memref_slice %arg4[%arg1, %dma_wait3A, %dma_wait3A_33] : memref<16x200x100xi32, #tpu.memory_space<hbm>> -> memref<1x200x100xi32, #tpu.memory_space<hbm>>
      %dma_wait3A_35 = tpu.memref_squeeze %dma_wait3A_34 : memref<1x200x100xi32, #tpu.memory_space<hbm>> -> memref<200x100xi32, #tpu.memory_space<hbm>>
      %dma_wait3A_36 = arith.constant 0 : i32
      %dma_wait3A_37 = arith.constant 0 : i32
      %dma_wait3A_38 = tpu.memref_slice %arg4[%arg1, %dma_wait3A_36, %dma_wait3A_37] : memref<16x200x100xi32, #tpu.memory_space<hbm>> -> memref<1x200x100xi32, #tpu.memory_space<hbm>>
      %dma_wait3A_39 = tpu.memref_squeeze %dma_wait3A_38 : memref<1x200x100xi32, #tpu.memory_space<hbm>> -> memref<200x100xi32, #tpu.memory_space<hbm>>
      tpu.wait_dma2 semaphore(%run_scoped3A : memref<!tpu.dma_semaphore, #tpu.memory_space<semaphore_mem>>) src(%dma_wait3A_39 : memref<200x100xi32, #tpu.memory_space<hbm>>) dst(%arg8 : memref<200x100xi32, #tpu.memory_space<vmem>>)
      tpu.yield
    }) : () -> ()
    %barrier3A = arith.constant 0 : index
    tpu.barrier barrier_id(%barrier3A)
    %scan3A = arith.constant 0 : i32
    %scan3A_7 = arith.constant 0 : i32
    %scan3A_8 = arith.constant 100 : i32
    %scan3A_9 = arith.addi %scan3A_7, %scan3A_8 : i32
    %scan3A_10 = arith.constant 1 : i32
    scf.for %scan3A_26 = %scan3A_7 to %scan3A_9 step %scan3A_10  : i32 {
      %mul3A_27 = arith.constant 2 : i32
      %mul3A_28 = arith.muli %mul3A_27, %scan3A_26 : i32
      %add3A = arith.constant 1 : i32
      %add3A_29 = arith.addi %mul3A_28, %add3A : i32
      %dma_start3A = arith.constant 0 : i32
      %dma_start3A_30 = tpu.memref_slice %arg7[%mul3A_28, %dma_start3A] : memref<200x100xi32, #tpu.memory_space<vmem>> -> memref<1x100xi32, #tpu.memory_space<vmem>>
      %dma_start3A_31 = tpu.memref_squeeze %dma_start3A_30 : memref<1x100xi32, #tpu.memory_space<vmem>> -> memref<100xi32, #tpu.memory_space<vmem>>
      %dma_start3A_32 = arith.constant 0 : i32
      %dma_start3A_33 = arith.constant 0 : i32
      %dma_start3A_34 = tpu.memref_slice %arg2[%arg0, %dma_start3A_32, %dma_start3A_33] : memref<2x10000x64xf32, #tpu.memory_space<hbm>> -> memref<1x10000x64xf32, #tpu.memory_space<hbm>>
      %dma_start3A_35 = tpu.memref_squeeze %dma_start3A_34 : memref<1x10000x64xf32, #tpu.memory_space<hbm>> -> memref<10000x64xf32, #tpu.memory_space<hbm>>
      %dma_start3A_36 = arith.constant 0 : i32
      %dma_start3A_37 = arith.constant 0 : i32
      %dma_start3A_38 = tpu.memref_slice %dma_start3A_35[%dma_start3A_36, %dma_start3A_37] : memref<10000x64xf32, #tpu.memory_space<hbm>> -> memref<10000x64xf32, #tpu.memory_space<hbm>>
      tpu.enqueue_indirect_dma source(%dma_start3A_38 : memref<10000x64xf32, #tpu.memory_space<hbm>>) target(%arg9 : memref<100x64xf32, #tpu.memory_space<vmem>>) offsets(%dma_start3A_31 : memref<100xi32, #tpu.memory_space<vmem>>) semaphore(%arg12 : memref<!tpu.dma_semaphore, #tpu.memory_space<semaphore_mem>>)
      %dma_start3A_39 = arith.constant 0 : i32
      %dma_start3A_40 = tpu.memref_slice %arg7[%add3A_29, %dma_start3A_39] : memref<200x100xi32, #tpu.memory_space<vmem>> -> memref<1x100xi32, #tpu.memory_space<vmem>>
      %dma_start3A_41 = tpu.memref_squeeze %dma_start3A_40 : memref<1x100xi32, #tpu.memory_space<vmem>> -> memref<100xi32, #tpu.memory_space<vmem>>
      %dma_start3A_42 = arith.constant 0 : i32
      %dma_start3A_43 = arith.constant 0 : i32
      %dma_start3A_44 = tpu.memref_slice %arg2[%arg0, %dma_start3A_42, %dma_start3A_43] : memref<2x10000x64xf32, #tpu.memory_space<hbm>> -> memref<1x10000x64xf32, #tpu.memory_space<hbm>>
      %dma_start3A_45 = tpu.memref_squeeze %dma_start3A_44 : memref<1x10000x64xf32, #tpu.memory_space<hbm>> -> memref<10000x64xf32, #tpu.memory_space<hbm>>
      %dma_start3A_46 = arith.constant 0 : i32
      %dma_start3A_47 = arith.constant 0 : i32
      %dma_start3A_48 = tpu.memref_slice %dma_start3A_45[%dma_start3A_46, %dma_start3A_47] : memref<10000x64xf32, #tpu.memory_space<hbm>> -> memref<10000x64xf32, #tpu.memory_space<hbm>>
      tpu.enqueue_indirect_dma source(%dma_start3A_48 : memref<10000x64xf32, #tpu.memory_space<hbm>>) target(%arg10 : memref<100x64xf32, #tpu.memory_space<vmem>>) offsets(%dma_start3A_41 : memref<100xi32, #tpu.memory_space<vmem>>) semaphore(%arg13 : memref<!tpu.dma_semaphore, #tpu.memory_space<semaphore_mem>>)
      %dma_wait3A = arith.constant 0 : i32
      %dma_wait3A_49 = tpu.memref_slice %arg7[%mul3A_28, %dma_wait3A] : memref<200x100xi32, #tpu.memory_space<vmem>> -> memref<1x100xi32, #tpu.memory_space<vmem>>
      %dma_wait3A_50 = tpu.memref_squeeze %dma_wait3A_49 : memref<1x100xi32, #tpu.memory_space<vmem>> -> memref<100xi32, #tpu.memory_space<vmem>>
      %dma_wait3A_51 = arith.constant 0 : i32
      %dma_wait3A_52 = arith.constant 0 : i32
      %dma_wait3A_53 = tpu.memref_slice %arg2[%arg0, %dma_wait3A_51, %dma_wait3A_52] : memref<2x10000x64xf32, #tpu.memory_space<hbm>> -> memref<1x10000x64xf32, #tpu.memory_space<hbm>>
      %dma_wait3A_54 = tpu.memref_squeeze %dma_wait3A_53 : memref<1x10000x64xf32, #tpu.memory_space<hbm>> -> memref<10000x64xf32, #tpu.memory_space<hbm>>
      %dma_wait3A_55 = arith.constant 0 : i32
      %dma_wait3A_56 = arith.constant 0 : i32
      %dma_wait3A_57 = tpu.memref_slice %dma_wait3A_54[%dma_wait3A_55, %dma_wait3A_56] : memref<10000x64xf32, #tpu.memory_space<hbm>> -> memref<10000x64xf32, #tpu.memory_space<hbm>>
      tpu.wait_indirect_dma semaphore(%arg12 : memref<!tpu.dma_semaphore, #tpu.memory_space<semaphore_mem>>) src(%dma_wait3A_57 : memref<10000x64xf32, #tpu.memory_space<hbm>>) dst(%arg9 : memref<100x64xf32, #tpu.memory_space<vmem>>)
      "tpu.region"() ({
        %run_scoped3A = tpu.sem_alloc : memref<!tpu.dma_semaphore, #tpu.memory_space<semaphore_mem>>
        %dma_start3A_68 = arith.constant 0 : i32
        %dma_start3A_69 = tpu.memref_slice %arg8[%mul3A_28, %dma_start3A_68] : memref<200x100xi32, #tpu.memory_space<vmem>> -> memref<1x100xi32, #tpu.memory_space<vmem>>
        %dma_start3A_70 = tpu.memref_squeeze %dma_start3A_69 : memref<1x100xi32, #tpu.memory_space<vmem>> -> memref<100xi32, #tpu.memory_space<vmem>>
        %dma_start3A_71 = arith.constant 0 : i32
        %dma_start3A_72 = arith.constant 0 : i32
        %dma_start3A_73 = tpu.memref_slice %arg11[%dma_start3A_71, %dma_start3A_72] : memref<10000x64xf32, #tpu.memory_space<vmem_shared>> -> memref<10000x64xf32, #tpu.memory_space<vmem_shared>>
        tpu.enqueue_indirect_dma source(%arg9 : memref<100x64xf32, #tpu.memory_space<vmem>>) target(%dma_start3A_73 : memref<10000x64xf32, #tpu.memory_space<vmem_shared>>) offsets(%dma_start3A_70 : memref<100xi32, #tpu.memory_space<vmem>>) semaphore(%run_scoped3A : memref<!tpu.dma_semaphore, #tpu.memory_space<semaphore_mem>>) {add = true}
        %dma_wait3A_74 = arith.constant 0 : i32
        %dma_wait3A_75 = tpu.memref_slice %arg8[%mul3A_28, %dma_wait3A_74] : memref<200x100xi32, #tpu.memory_space<vmem>> -> memref<1x100xi32, #tpu.memory_space<vmem>>
        %dma_wait3A_76 = tpu.memref_squeeze %dma_wait3A_75 : memref<1x100xi32, #tpu.memory_space<vmem>> -> memref<100xi32, #tpu.memory_space<vmem>>
        %dma_wait3A_77 = arith.constant 0 : i32
        %dma_wait3A_78 = arith.constant 0 : i32
        %dma_wait3A_79 = tpu.memref_slice %arg11[%dma_wait3A_77, %dma_wait3A_78] : memref<10000x64xf32, #tpu.memory_space<vmem_shared>> -> memref<10000x64xf32, #tpu.memory_space<vmem_shared>>
        tpu.wait_indirect_dma semaphore(%run_scoped3A : memref<!tpu.dma_semaphore, #tpu.memory_space<semaphore_mem>>) src(%arg9 : memref<100x64xf32, #tpu.memory_space<vmem>>) dst(%dma_wait3A_79 : memref<10000x64xf32, #tpu.memory_space<vmem_shared>>)
        tpu.yield
      }) : () -> ()
      %dma_wait3A_58 = arith.constant 0 : i32
      %dma_wait3A_59 = tpu.memref_slice %arg7[%add3A_29, %dma_wait3A_58] : memref<200x100xi32, #tpu.memory_space<vmem>> -> memref<1x100xi32, #tpu.memory_space<vmem>>
      %dma_wait3A_60 = tpu.memref_squeeze %dma_wait3A_59 : memref<1x100xi32, #tpu.memory_space<vmem>> -> memref<100xi32, #tpu.memory_space<vmem>>
      %dma_wait3A_61 = arith.constant 0 : i32
      %dma_wait3A_62 = arith.constant 0 : i32
      %dma_wait3A_63 = tpu.memref_slice %arg2[%arg0, %dma_wait3A_61, %dma_wait3A_62] : memref<2x10000x64xf32, #tpu.memory_space<hbm>> -> memref<1x10000x64xf32, #tpu.memory_space<hbm>>
      %dma_wait3A_64 = tpu.memref_squeeze %dma_wait3A_63 : memref<1x10000x64xf32, #tpu.memory_space<hbm>> -> memref<10000x64xf32, #tpu.memory_space<hbm>>
      %dma_wait3A_65 = arith.constant 0 : i32
      %dma_wait3A_66 = arith.constant 0 : i32
      %dma_wait3A_67 = tpu.memref_slice %dma_wait3A_64[%dma_wait3A_65, %dma_wait3A_66] : memref<10000x64xf32, #tpu.memory_space<hbm>> -> memref<10000x64xf32, #tpu.memory_space<hbm>>
      tpu.wait_indirect_dma semaphore(%arg13 : memref<!tpu.dma_semaphore, #tpu.memory_space<semaphore_mem>>) src(%dma_wait3A_67 : memref<10000x64xf32, #tpu.memory_space<hbm>>) dst(%arg10 : memref<100x64xf32, #tpu.memory_space<vmem>>)
      "tpu.region"() ({
        %run_scoped3A = tpu.sem_alloc : memref<!tpu.dma_semaphore, #tpu.memory_space<semaphore_mem>>
        %dma_start3A_68 = arith.constant 0 : i32
        %dma_start3A_69 = tpu.memref_slice %arg8[%add3A_29, %dma_start3A_68] : memref<200x100xi32, #tpu.memory_space<vmem>> -> memref<1x100xi32, #tpu.memory_space<vmem>>
        %dma_start3A_70 = tpu.memref_squeeze %dma_start3A_69 : memref<1x100xi32, #tpu.memory_space<vmem>> -> memref<100xi32, #tpu.memory_space<vmem>>
        %dma_start3A_71 = arith.constant 0 : i32
        %dma_start3A_72 = arith.constant 0 : i32
        %dma_start3A_73 = tpu.memref_slice %arg11[%dma_start3A_71, %dma_start3A_72] : memref<10000x64xf32, #tpu.memory_space<vmem_shared>> -> memref<10000x64xf32, #tpu.memory_space<vmem_shared>>
        tpu.enqueue_indirect_dma source(%arg10 : memref<100x64xf32, #tpu.memory_space<vmem>>) target(%dma_start3A_73 : memref<10000x64xf32, #tpu.memory_space<vmem_shared>>) offsets(%dma_start3A_70 : memref<100xi32, #tpu.memory_space<vmem>>) semaphore(%run_scoped3A : memref<!tpu.dma_semaphore, #tpu.memory_space<semaphore_mem>>) {add = true}
        %dma_wait3A_74 = arith.constant 0 : i32
        %dma_wait3A_75 = tpu.memref_slice %arg8[%add3A_29, %dma_wait3A_74] : memref<200x100xi32, #tpu.memory_space<vmem>> -> memref<1x100xi32, #tpu.memory_space<vmem>>
        %dma_wait3A_76 = tpu.memref_squeeze %dma_wait3A_75 : memref<1x100xi32, #tpu.memory_space<vmem>> -> memref<100xi32, #tpu.memory_space<vmem>>
        %dma_wait3A_77 = arith.constant 0 : i32
        %dma_wait3A_78 = arith.constant 0 : i32
        %dma_wait3A_79 = tpu.memref_slice %arg11[%dma_wait3A_77, %dma_wait3A_78] : memref<10000x64xf32, #tpu.memory_space<vmem_shared>> -> memref<10000x64xf32, #tpu.memory_space<vmem_shared>>
        tpu.wait_indirect_dma semaphore(%run_scoped3A : memref<!tpu.dma_semaphore, #tpu.memory_space<semaphore_mem>>) src(%arg10 : memref<100x64xf32, #tpu.memory_space<vmem>>) dst(%dma_wait3A_79 : memref<10000x64xf32, #tpu.memory_space<vmem_shared>>)
        tpu.yield
      }) : () -> ()
    }
    %scan3A_11 = arith.constant 100 : i32
    %barrier3A_12 = arith.constant 0 : index
    tpu.barrier barrier_id(%barrier3A_12)
    %mul3A_13 = arith.constant 624 : i32
    %mul3A_14 = arith.muli %arg1, %mul3A_13 : i32
    %multiple_of3A_15 = tpu.assume_multiple %mul3A_14, 8 : i32
    %lt3A_16 = arith.constant 15 : i32
    %lt3A_17 = arith.cmpi slt, %arg1, %lt3A_16 : i32
    %convert_element_type3A_18 = arith.extui %lt3A_17 : i1 to i32
    %cond3A_19 = arith.constant 0 : i32
    %cond3A_20 = arith.cmpi ne, %convert_element_type3A_18, %cond3A_19 : i32
    scf.if %cond3A_20 {
      "tpu.region"() ({
        %run_scoped3A = tpu.sem_alloc : memref<!tpu.dma_semaphore, #tpu.memory_space<semaphore_mem>>
        %dma_start3A = arith.constant 0 : i32
        %dma_start3A_26 = arith.constant 0 : i32
        %dma_start3A_27 = tpu.memref_slice %arg6[%arg0, %dma_start3A, %dma_start3A_26] : memref<2x10000x64xf32, #tpu.memory_space<hbm>> -> memref<1x10000x64xf32, #tpu.memory_space<hbm>>
        %dma_start3A_28 = tpu.memref_squeeze %dma_start3A_27 : memref<1x10000x64xf32, #tpu.memory_space<hbm>> -> memref<10000x64xf32, #tpu.memory_space<hbm>>
        %dma_start3A_29 = arith.constant 0 : i32
        %dma_start3A_30 = tpu.memref_slice %dma_start3A_28[%multiple_of3A_15, %dma_start3A_29] : memref<10000x64xf32, #tpu.memory_space<hbm>> -> memref<624x64xf32, #tpu.memory_space<hbm>>
        %dma_start3A_31 = arith.constant 0 : i32
        %dma_start3A_32 = tpu.memref_slice %arg11[%multiple_of3A_15, %dma_start3A_31] : memref<10000x64xf32, #tpu.memory_space<vmem_shared>> -> memref<624x64xf32, #tpu.memory_space<vmem_shared>>
        tpu.enqueue_dma source(%dma_start3A_32 : memref<624x64xf32, #tpu.memory_space<vmem_shared>>) target(%dma_start3A_30 : memref<624x64xf32, #tpu.memory_space<hbm>>) target_semaphore(%run_scoped3A : memref<!tpu.dma_semaphore, #tpu.memory_space<semaphore_mem>>)
        %dma_wait3A = arith.constant 0 : i32
        %dma_wait3A_33 = arith.constant 0 : i32
        %dma_wait3A_34 = tpu.memref_slice %arg6[%arg0, %dma_wait3A, %dma_wait3A_33] : memref<2x10000x64xf32, #tpu.memory_space<hbm>> -> memref<1x10000x64xf32, #tpu.memory_space<hbm>>
        %dma_wait3A_35 = tpu.memref_squeeze %dma_wait3A_34 : memref<1x10000x64xf32, #tpu.memory_space<hbm>> -> memref<10000x64xf32, #tpu.memory_space<hbm>>
        %dma_wait3A_36 = arith.constant 0 : i32
        %dma_wait3A_37 = tpu.memref_slice %dma_wait3A_35[%multiple_of3A_15, %dma_wait3A_36] : memref<10000x64xf32, #tpu.memory_space<hbm>> -> memref<624x64xf32, #tpu.memory_space<hbm>>
        %dma_wait3A_38 = arith.constant 0 : i32
        %dma_wait3A_39 = tpu.memref_slice %arg11[%multiple_of3A_15, %dma_wait3A_38] : memref<10000x64xf32, #tpu.memory_space<vmem_shared>> -> memref<624x64xf32, #tpu.memory_space<vmem_shared>>
        tpu.wait_dma2 semaphore(%run_scoped3A : memref<!tpu.dma_semaphore, #tpu.memory_space<semaphore_mem>>) src(%dma_wait3A_39 : memref<624x64xf32, #tpu.memory_space<vmem_shared>>) dst(%dma_wait3A_37 : memref<624x64xf32, #tpu.memory_space<hbm>>)
        tpu.yield
      }) : () -> ()
    } else {
    }
    %eq3A_21 = arith.constant 15 : i32
    %eq3A_22 = arith.cmpi eq, %arg1, %eq3A_21 : i32
    %convert_element_type3A_23 = arith.extui %eq3A_22 : i1 to i32
    %cond3A_24 = arith.constant 0 : i32
    %cond3A_25 = arith.cmpi ne, %convert_element_type3A_23, %cond3A_24 : i32
    scf.if %cond3A_25 {
      "tpu.region"() ({
        %run_scoped3A = tpu.sem_alloc : memref<!tpu.dma_semaphore, #tpu.memory_space<semaphore_mem>>
        %dma_start3A = arith.constant 0 : i32
        %dma_start3A_26 = arith.constant 0 : i32
        %dma_start3A_27 = tpu.memref_slice %arg6[%arg0, %dma_start3A, %dma_start3A_26] : memref<2x10000x64xf32, #tpu.memory_space<hbm>> -> memref<1x10000x64xf32, #tpu.memory_space<hbm>>
        %dma_start3A_28 = tpu.memref_squeeze %dma_start3A_27 : memref<1x10000x64xf32, #tpu.memory_space<hbm>> -> memref<10000x64xf32, #tpu.memory_space<hbm>>
        %dma_start3A_29 = arith.constant 9360 : i32
        %dma_start3A_30 = arith.constant 0 : i32
        %dma_start3A_31 = tpu.memref_slice %dma_start3A_28[%dma_start3A_29, %dma_start3A_30] : memref<10000x64xf32, #tpu.memory_space<hbm>> -> memref<640x64xf32, #tpu.memory_space<hbm>>
        %dma_start3A_32 = arith.constant 9360 : i32
        %dma_start3A_33 = arith.constant 0 : i32
        %dma_start3A_34 = tpu.memref_slice %arg11[%dma_start3A_32, %dma_start3A_33] : memref<10000x64xf32, #tpu.memory_space<vmem_shared>> -> memref<640x64xf32, #tpu.memory_space<vmem_shared>>
        tpu.enqueue_dma source(%dma_start3A_34 : memref<640x64xf32, #tpu.memory_space<vmem_shared>>) target(%dma_start3A_31 : memref<640x64xf32, #tpu.memory_space<hbm>>) target_semaphore(%run_scoped3A : memref<!tpu.dma_semaphore, #tpu.memory_space<semaphore_mem>>)
        %dma_wait3A = arith.constant 0 : i32
        %dma_wait3A_35 = arith.constant 0 : i32
        %dma_wait3A_36 = tpu.memref_slice %arg6[%arg0, %dma_wait3A, %dma_wait3A_35] : memref<2x10000x64xf32, #tpu.memory_space<hbm>> -> memref<1x10000x64xf32, #tpu.memory_space<hbm>>
        %dma_wait3A_37 = tpu.memref_squeeze %dma_wait3A_36 : memref<1x10000x64xf32, #tpu.memory_space<hbm>> -> memref<10000x64xf32, #tpu.memory_space<hbm>>
        %dma_wait3A_38 = arith.constant 9360 : i32
        %dma_wait3A_39 = arith.constant 0 : i32
        %dma_wait3A_40 = tpu.memref_slice %dma_wait3A_37[%dma_wait3A_38, %dma_wait3A_39] : memref<10000x64xf32, #tpu.memory_space<hbm>> -> memref<640x64xf32, #tpu.memory_space<hbm>>
        %dma_wait3A_41 = arith.constant 9360 : i32
        %dma_wait3A_42 = arith.constant 0 : i32
        %dma_wait3A_43 = tpu.memref_slice %arg11[%dma_wait3A_41, %dma_wait3A_42] : memref<10000x64xf32, #tpu.memory_space<vmem_shared>> -> memref<640x64xf32, #tpu.memory_space<vmem_shared>>
        tpu.wait_dma2 semaphore(%run_scoped3A : memref<!tpu.dma_semaphore, #tpu.memory_space<semaphore_mem>>) src(%dma_wait3A_43 : memref<640x64xf32, #tpu.memory_space<vmem_shared>>) dst(%dma_wait3A_40 : memref<640x64xf32, #tpu.memory_space<hbm>>)
        tpu.yield
      }) : () -> ()
    } else {
    }
    return
  }
}

module attributes {stable_mosaic.version = 14 : i64} {
  func.func @_gin_tc_body(%arg0: memref<1xf32, #tpu.memory_space<smem>>, %arg1: memref<2x10000x64xf32, #tpu.memory_space<vmem>>, %arg2: memref<2x10000x64xf32, #tpu.memory_space<vmem>>, %arg3: memref<128x128xf32, #tpu.memory_space<vmem>>, %arg4: memref<1x128xf32, #tpu.memory_space<vmem>>, %arg5: memref<128x128xf32, #tpu.memory_space<vmem>>, %arg6: memref<1x128xf32, #tpu.memory_space<vmem>>, %arg7: memref<1x128xf32, #tpu.memory_space<vmem>>, %arg8: memref<1x128xf32, #tpu.memory_space<vmem>>, %arg9: memref<2x10000x64xf32, #tpu.memory_space<vmem>>) attributes {dimension_semantics = [], scalar_prefetch = 0 : i64, scratch_operands = 0 : i64, tpu.core_type = #tpu.core_type<tc>} {
    %get3A = arith.constant 0 : index
    %get3A_0 = arith.constant 0 : index
    %get3A_1 = arith.constant 0 : index
    %get3A_2 = vector.load %arg1[%get3A, %get3A_0, %get3A_1] : memref<2x10000x64xf32, #tpu.memory_space<vmem>>, vector<1x10000x64xf32>
    %get3A_3 = vector.shape_cast %get3A_2 : vector<1x10000x64xf32> to vector<10000x64xf32>
    %get3A_4 = arith.constant 1 : index
    %get3A_5 = arith.constant 0 : index
    %get3A_6 = arith.constant 0 : index
    %get3A_7 = vector.load %arg1[%get3A_4, %get3A_5, %get3A_6] : memref<2x10000x64xf32, #tpu.memory_space<vmem>>, vector<1x10000x64xf32>
    %get3A_8 = vector.shape_cast %get3A_7 : vector<1x10000x64xf32> to vector<10000x64xf32>
    %concatenate3A = tpu.concatenate %get3A_3, %get3A_8 in 1 : vector<10000x64xf32>, vector<10000x64xf32> -> vector<10000x128xf32>
    %get3A_9 = arith.constant 0 : index
    %get3A_10 = arith.constant 0 : index
    %get3A_11 = arith.constant 0 : index
    %get3A_12 = vector.load %arg2[%get3A_9, %get3A_10, %get3A_11] : memref<2x10000x64xf32, #tpu.memory_space<vmem>>, vector<1x10000x64xf32>
    %get3A_13 = vector.shape_cast %get3A_12 : vector<1x10000x64xf32> to vector<10000x64xf32>
    %get3A_14 = arith.constant 1 : index
    %get3A_15 = arith.constant 0 : index
    %get3A_16 = arith.constant 0 : index
    %get3A_17 = vector.load %arg2[%get3A_14, %get3A_15, %get3A_16] : memref<2x10000x64xf32, #tpu.memory_space<vmem>>, vector<1x10000x64xf32>
    %get3A_18 = vector.shape_cast %get3A_17 : vector<1x10000x64xf32> to vector<10000x64xf32>
    %concatenate3A_19 = tpu.concatenate %get3A_13, %get3A_18 in 1 : vector<10000x64xf32>, vector<10000x64xf32> -> vector<10000x128xf32>
    %get3A_20 = arith.constant 0 : index
    %get3A_21 = memref.load %arg0[%get3A_20] : memref<1xf32, #tpu.memory_space<smem>>
    %add3A = arith.constant 1.000000e+00 : f32
    %add3A_22 = arith.addf %add3A, %get3A_21 : f32
    %mul3A = vector.broadcast %add3A_22 : f32 to vector<10000x128xf32>
    %mul3A_23 = arith.mulf %concatenate3A, %mul3A : vector<10000x128xf32>
    %add3A_24 = arith.addf %mul3A_23, %concatenate3A_19 : vector<10000x128xf32>
    %get3A_25 = arith.constant 0 : index
    %get3A_26 = arith.constant 0 : index
    %get3A_27 = vector.load %arg3[%get3A_25, %get3A_26] : memref<128x128xf32, #tpu.memory_space<vmem>>, vector<128x128xf32>
    %dot_general3A = arith.constant dense<0.000000e+00> : vector<10000x128xf32>
    %dot_general3A_28 = tpu.matmul %add3A_24, %get3A_27, %dot_general3A {dimension_numbers = #tpu.dot_dimension_numbers<[1], [0], [0], [1], [0, 0, 1, 1], [], []>, transpose_lhs_hint = false} : vector<10000x128xf32>, vector<128x128xf32>, vector<10000x128xf32> -> vector<10000x128xf32>
    %get3A_29 = arith.constant 0 : index
    %get3A_30 = arith.constant 0 : index
    %get3A_31 = vector.load %arg4[%get3A_29, %get3A_30] : memref<1x128xf32, #tpu.memory_space<vmem>>, vector<1x128xf32>
    %add3A_32 = vector.broadcast %get3A_31 : vector<1x128xf32> to vector<10000x128xf32>
    %add3A_33 = arith.addf %dot_general3A_28, %add3A_32 : vector<10000x128xf32>
    %max3A = arith.constant 0.000000e+00 : f32
    %max3A_34 = vector.broadcast %max3A : f32 to vector<10000x128xf32>
    %max3A_35 = arith.maximumf %add3A_33, %max3A_34 : vector<10000x128xf32>
    %get3A_36 = arith.constant 0 : index
    %get3A_37 = arith.constant 0 : index
    %get3A_38 = vector.load %arg5[%get3A_36, %get3A_37] : memref<128x128xf32, #tpu.memory_space<vmem>>, vector<128x128xf32>
    %dot_general3A_39 = arith.constant dense<0.000000e+00> : vector<10000x128xf32>
    %dot_general3A_40 = tpu.matmul %max3A_35, %get3A_38, %dot_general3A_39 {dimension_numbers = #tpu.dot_dimension_numbers<[1], [0], [0], [1], [0, 0, 1, 1], [], []>, transpose_lhs_hint = false} : vector<10000x128xf32>, vector<128x128xf32>, vector<10000x128xf32> -> vector<10000x128xf32>
    %get3A_41 = arith.constant 0 : index
    %get3A_42 = arith.constant 0 : index
    %get3A_43 = vector.load %arg6[%get3A_41, %get3A_42] : memref<1x128xf32, #tpu.memory_space<vmem>>, vector<1x128xf32>
    %add3A_44 = vector.broadcast %get3A_43 : vector<1x128xf32> to vector<10000x128xf32>
    %add3A_45 = arith.addf %dot_general3A_40, %add3A_44 : vector<10000x128xf32>
    %max3A_46 = arith.constant 0.000000e+00 : f32
    %max3A_47 = vector.broadcast %max3A_46 : f32 to vector<10000x128xf32>
    %max3A_48 = arith.maximumf %add3A_45, %max3A_47 : vector<10000x128xf32>
    %reduce_sum3A = arith.constant dense<0.000000e+00> : vector<128xf32>
    %reduce_sum3A_49 = vector.multi_reduction <add>, %max3A_48, %reduce_sum3A [0] : vector<10000x128xf32> to vector<128xf32>
    %broadcast_in_dim3A = vector.shape_cast %reduce_sum3A_49 : vector<128xf32> to vector<1x128xf32>
    %div3A = arith.constant 1.000000e+04 : f32
    %div3A_50 = vector.broadcast %div3A : f32 to vector<1x128xf32>
    %div3A_51 = arith.divf %broadcast_in_dim3A, %div3A_50 : vector<1x128xf32>
    %mul3A_52 = arith.mulf %max3A_48, %max3A_48 : vector<10000x128xf32>
    %reduce_sum3A_53 = arith.constant dense<0.000000e+00> : vector<128xf32>
    %reduce_sum3A_54 = vector.multi_reduction <add>, %mul3A_52, %reduce_sum3A_53 [0] : vector<10000x128xf32> to vector<128xf32>
    %broadcast_in_dim3A_55 = vector.shape_cast %reduce_sum3A_54 : vector<128xf32> to vector<1x128xf32>
    %div3A_56 = arith.constant 1.000000e+04 : f32
    %div3A_57 = vector.broadcast %div3A_56 : f32 to vector<1x128xf32>
    %div3A_58 = arith.divf %broadcast_in_dim3A_55, %div3A_57 : vector<1x128xf32>
    %mul3A_59 = arith.mulf %div3A_51, %div3A_51 : vector<1x128xf32>
    %sub3A = arith.subf %div3A_58, %mul3A_59 : vector<1x128xf32>
    %sub3A_60 = vector.broadcast %div3A_51 : vector<1x128xf32> to vector<10000x128xf32>
    %sub3A_61 = arith.subf %max3A_48, %sub3A_60 : vector<10000x128xf32>
    %add3A_62 = arith.constant 9.99999974E-6 : f32
    %add3A_63 = vector.broadcast %add3A_62 : f32 to vector<1x128xf32>
    %add3A_64 = arith.addf %sub3A, %add3A_63 : vector<1x128xf32>
    %rsqrt3A = math.rsqrt %add3A_64 : vector<1x128xf32>
    %mul3A_65 = vector.broadcast %rsqrt3A : vector<1x128xf32> to vector<10000x128xf32>
    %mul3A_66 = arith.mulf %sub3A_61, %mul3A_65 : vector<10000x128xf32>
    %get3A_67 = arith.constant 0 : index
    %get3A_68 = arith.constant 0 : index
    %get3A_69 = vector.load %arg7[%get3A_67, %get3A_68] : memref<1x128xf32, #tpu.memory_space<vmem>>, vector<1x128xf32>
    %mul3A_70 = vector.broadcast %get3A_69 : vector<1x128xf32> to vector<10000x128xf32>
    %mul3A_71 = arith.mulf %mul3A_66, %mul3A_70 : vector<10000x128xf32>
    %get3A_72 = arith.constant 0 : index
    %get3A_73 = arith.constant 0 : index
    %get3A_74 = vector.load %arg8[%get3A_72, %get3A_73] : memref<1x128xf32, #tpu.memory_space<vmem>>, vector<1x128xf32>
    %add3A_75 = vector.broadcast %get3A_74 : vector<1x128xf32> to vector<10000x128xf32>
    %add3A_76 = arith.addf %mul3A_71, %add3A_75 : vector<10000x128xf32>
    %max3A_77 = arith.constant 0.000000e+00 : f32
    %max3A_78 = vector.broadcast %max3A_77 : f32 to vector<10000x128xf32>
    %max3A_79 = arith.maximumf %add3A_76, %max3A_78 : vector<10000x128xf32>
    %slice3A = vector.extract_strided_slice %max3A_79 {offsets = [0, 0], sizes = [10000, 64], strides = [1, 1]} : vector<10000x128xf32> to vector<10000x64xf32>
    %swap3A = arith.constant 0 : index
    %swap3A_80 = arith.constant 0 : index
    %swap3A_81 = arith.constant 0 : index
    %swap3A_82 = vector.load %arg9[%swap3A, %swap3A_80, %swap3A_81] : memref<2x10000x64xf32, #tpu.memory_space<vmem>>, vector<1x10000x64xf32>
    %swap3A_83 = vector.shape_cast %swap3A_82 : vector<1x10000x64xf32> to vector<10000x64xf32>
    %swap3A_84 = vector.shape_cast %slice3A : vector<10000x64xf32> to vector<1x10000x64xf32>
    tpu.vector_store %arg9[%swap3A, %swap3A_80, %swap3A_81], %swap3A_84 {strides = array<i32>} : memref<2x10000x64xf32, #tpu.memory_space<vmem>>, vector<1x10000x64xf32>,
    %slice3A_85 = vector.extract_strided_slice %max3A_79 {offsets = [0, 64], sizes = [10000, 64], strides = [1, 1]} : vector<10000x128xf32> to vector<10000x64xf32>
    %swap3A_86 = arith.constant 1 : index
    %swap3A_87 = arith.constant 0 : index
    %swap3A_88 = arith.constant 0 : index
    %swap3A_89 = vector.load %arg9[%swap3A_86, %swap3A_87, %swap3A_88] : memref<2x10000x64xf32, #tpu.memory_space<vmem>>, vector<1x10000x64xf32>
    %swap3A_90 = vector.shape_cast %swap3A_89 : vector<1x10000x64xf32> to vector<10000x64xf32>
    %swap3A_91 = vector.shape_cast %slice3A_85 : vector<10000x64xf32> to vector<1x10000x64xf32>
    tpu.vector_store %arg9[%swap3A_86, %swap3A_87, %swap3A_88], %swap3A_91 {strides = array<i32>} : memref<2x10000x64xf32, #tpu.memory_space<vmem>>, vector<1x10000x64xf32>,
    return
  }
}

module attributes {stable_mosaic.version = 14 : i64} {
  func.func @_final_tc_body(%arg0: memref<2x10000x64xf32, #tpu.memory_space<vmem>>, %arg1: memref<128x128xf32, #tpu.memory_space<vmem>>, %arg2: memref<1x128xf32, #tpu.memory_space<vmem>>, %arg3: memref<128x128xf32, #tpu.memory_space<vmem>>, %arg4: memref<128x128xf32, #tpu.memory_space<vmem>>, %arg5: memref<1x128xf32, #tpu.memory_space<vmem>>, %arg6: memref<10000x128xf32, #tpu.memory_space<vmem>>, %arg7: memref<10000x128xf32, #tpu.memory_space<vmem>>) attributes {dimension_semantics = [], scalar_prefetch = 0 : i64, scratch_operands = 0 : i64, tpu.core_type = #tpu.core_type<tc>} {
    %get3A = arith.constant 0 : index
    %get3A_0 = arith.constant 0 : index
    %get3A_1 = arith.constant 0 : index
    %get3A_2 = vector.load %arg0[%get3A, %get3A_0, %get3A_1] : memref<2x10000x64xf32, #tpu.memory_space<vmem>>, vector<1x10000x64xf32>
    %get3A_3 = vector.shape_cast %get3A_2 : vector<1x10000x64xf32> to vector<10000x64xf32>
    %get3A_4 = arith.constant 1 : index
    %get3A_5 = arith.constant 0 : index
    %get3A_6 = arith.constant 0 : index
    %get3A_7 = vector.load %arg0[%get3A_4, %get3A_5, %get3A_6] : memref<2x10000x64xf32, #tpu.memory_space<vmem>>, vector<1x10000x64xf32>
    %get3A_8 = vector.shape_cast %get3A_7 : vector<1x10000x64xf32> to vector<10000x64xf32>
    %concatenate3A = tpu.concatenate %get3A_3, %get3A_8 in 1 : vector<10000x64xf32>, vector<10000x64xf32> -> vector<10000x128xf32>
    %get3A_9 = arith.constant 0 : index
    %get3A_10 = arith.constant 0 : index
    %get3A_11 = vector.load %arg1[%get3A_9, %get3A_10] : memref<128x128xf32, #tpu.memory_space<vmem>>, vector<128x128xf32>
    %dot_general3A = arith.constant dense<0.000000e+00> : vector<10000x128xf32>
    %dot_general3A_12 = tpu.matmul %concatenate3A, %get3A_11, %dot_general3A {dimension_numbers = #tpu.dot_dimension_numbers<[1], [0], [0], [1], [0, 0, 1, 1], [], []>, transpose_lhs_hint = false} : vector<10000x128xf32>, vector<128x128xf32>, vector<10000x128xf32> -> vector<10000x128xf32>
    %get3A_13 = arith.constant 0 : index
    %get3A_14 = arith.constant 0 : index
    %get3A_15 = vector.load %arg2[%get3A_13, %get3A_14] : memref<1x128xf32, #tpu.memory_space<vmem>>, vector<1x128xf32>
    %add3A = vector.broadcast %get3A_15 : vector<1x128xf32> to vector<10000x128xf32>
    %add3A_16 = arith.addf %dot_general3A_12, %add3A : vector<10000x128xf32>
    %max3A = arith.constant 0.000000e+00 : f32
    %max3A_17 = vector.broadcast %max3A : f32 to vector<10000x128xf32>
    %max3A_18 = arith.maximumf %add3A_16, %max3A_17 : vector<10000x128xf32>
    %get3A_19 = arith.constant 0 : index
    %get3A_20 = arith.constant 0 : index
    %get3A_21 = vector.load %arg3[%get3A_19, %get3A_20] : memref<128x128xf32, #tpu.memory_space<vmem>>, vector<128x128xf32>
    %dot_general3A_22 = arith.constant dense<0.000000e+00> : vector<10000x128xf32>
    %dot_general3A_23 = tpu.matmul %max3A_18, %get3A_21, %dot_general3A_22 {dimension_numbers = #tpu.dot_dimension_numbers<[1], [0], [0], [1], [0, 0, 1, 1], [], []>, transpose_lhs_hint = false} : vector<10000x128xf32>, vector<128x128xf32>, vector<10000x128xf32> -> vector<10000x128xf32>
    %get3A_24 = arith.constant 0 : index
    %get3A_25 = arith.constant 0 : index
    %get3A_26 = vector.load %arg5[%get3A_24, %get3A_25] : memref<1x128xf32, #tpu.memory_space<vmem>>, vector<1x128xf32>
    %add3A_27 = vector.broadcast %get3A_26 : vector<1x128xf32> to vector<10000x128xf32>
    %add3A_28 = arith.addf %dot_general3A_23, %add3A_27 : vector<10000x128xf32>
    %swap3A = arith.constant 0 : index
    %swap3A_29 = arith.constant 0 : index
    %swap3A_30 = vector.load %arg6[%swap3A, %swap3A_29] : memref<10000x128xf32, #tpu.memory_space<vmem>>, vector<10000x128xf32>
    tpu.vector_store %arg6[%swap3A, %swap3A_29], %add3A_28 {strides = array<i32>} : memref<10000x128xf32, #tpu.memory_space<vmem>>, vector<10000x128xf32>,
    %get3A_31 = arith.constant 0 : index
    %get3A_32 = arith.constant 0 : index
    %get3A_33 = vector.load %arg4[%get3A_31, %get3A_32] : memref<128x128xf32, #tpu.memory_space<vmem>>, vector<128x128xf32>
    %dot_general3A_34 = arith.constant dense<0.000000e+00> : vector<10000x128xf32>
    %dot_general3A_35 = tpu.matmul %max3A_18, %get3A_33, %dot_general3A_34 {dimension_numbers = #tpu.dot_dimension_numbers<[1], [0], [0], [1], [0, 0, 1, 1], [], []>, transpose_lhs_hint = false} : vector<10000x128xf32>, vector<128x128xf32>, vector<10000x128xf32> -> vector<10000x128xf32>
    %swap3A_36 = arith.constant 0 : index
    %swap3A_37 = arith.constant 0 : index
    %swap3A_38 = vector.load %arg7[%swap3A_36, %swap3A_37] : memref<10000x128xf32, #tpu.memory_space<vmem>>, vector<10000x128xf32>
    tpu.vector_store %arg7[%swap3A_36, %swap3A_37], %dot_general3A_35 {strides = array<i32>} : memref<10000x128xf32, #tpu.memory_space<vmem>>, vector<10000x128xf32>,
    return
  }
}

module attributes {stable_mosaic.version = 14 : i64} {
  func.func @_head_tc_body(%arg0: i32, %arg1: memref<2048x128xf32, #tpu.memory_space<vmem>>, %arg2: memref<128x7xf32, #tpu.memory_space<vmem>>, %arg3: memref<1x7xf32, #tpu.memory_space<vmem>>, %arg4: memref<2048x7xf32, #tpu.memory_space<vmem>>) attributes {dimension_semantics = [#tpu.dimension_semantics<arbitrary>], iteration_bounds = array<i64: 49>, scalar_prefetch = 0 : i64, scratch_operands = 0 : i64, tpu.core_type = #tpu.core_type<tc>, window_params = [{transform_indices = @transform_0, window_bounds = array<i64: 2048, 128>}, {pipeline_mode = #tpu.pipeline_mode<synchronous>, transform_indices = @transform_1, window_bounds = array<i64: 128, 7>}, {pipeline_mode = #tpu.pipeline_mode<synchronous>, transform_indices = @transform_2, window_bounds = array<i64: 1, 7>}, {transform_indices = @transform_3, window_bounds = array<i64: 2048, 7>}]} {
    %get3A = arith.constant 0 : index
    %get3A_0 = arith.constant 0 : index
    %get3A_1 = vector.load %arg1[%get3A, %get3A_0] : memref<2048x128xf32, #tpu.memory_space<vmem>>, vector<2048x128xf32>
    %max3A = arith.constant 0.000000e+00 : f32
    %max3A_2 = vector.broadcast %max3A : f32 to vector<2048x128xf32>
    %max3A_3 = arith.maximumf %get3A_1, %max3A_2 : vector<2048x128xf32>
    %get3A_4 = arith.constant 0 : index
    %get3A_5 = arith.constant 0 : index
    %get3A_6 = vector.load %arg2[%get3A_4, %get3A_5] : memref<128x7xf32, #tpu.memory_space<vmem>>, vector<128x7xf32>
    %dot_general3A = arith.constant dense<0.000000e+00> : vector<2048x7xf32>
    %dot_general3A_7 = tpu.matmul %max3A_3, %get3A_6, %dot_general3A {dimension_numbers = #tpu.dot_dimension_numbers<[1], [0], [0], [1], [0, 0, 1, 1], [], []>, transpose_lhs_hint = false} : vector<2048x128xf32>, vector<128x7xf32>, vector<2048x7xf32> -> vector<2048x7xf32>
    %get3A_8 = arith.constant 0 : index
    %get3A_9 = arith.constant 0 : index
    %get3A_10 = vector.load %arg3[%get3A_8, %get3A_9] : memref<1x7xf32, #tpu.memory_space<vmem>>, vector<1x7xf32>
    %add3A = vector.broadcast %get3A_10 : vector<1x7xf32> to vector<2048x7xf32>
    %add3A_11 = arith.addf %dot_general3A_7, %add3A : vector<2048x7xf32>
    %swap3A = arith.constant 0 : index
    %swap3A_12 = arith.constant 0 : index
    %swap3A_13 = vector.load %arg4[%swap3A, %swap3A_12] : memref<2048x7xf32, #tpu.memory_space<vmem>>, vector<2048x7xf32>
    tpu.vector_store %arg4[%swap3A, %swap3A_12], %add3A_11 {strides = array<i32>} : memref<2048x7xf32, #tpu.memory_space<vmem>>, vector<2048x7xf32>,
    return
  }
  func.func @transform_0(%arg0: i32) -> (i32, i32) {
    %c0_i32 = arith.constant 0 : i32
    %c0_i32_0 = arith.constant 0 : i32
    return %arg0, %c0_i32 : i32, i32
  }
  func.func @transform_1(%arg0: i32) -> (i32, i32) {
    %c0_i32 = arith.constant 0 : i32
    %c0_i32_0 = arith.constant 0 : i32
    %c0_i32_1 = arith.constant 0 : i32
    return %c0_i32, %c0_i32_0 : i32, i32
  }
  func.func @transform_2(%arg0: i32) -> (i32, i32) {
    %c0_i32 = arith.constant 0 : i32
    %c0_i32_0 = arith.constant 0 : i32
    %c0_i32_1 = arith.constant 0 : i32
    return %c0_i32, %c0_i32_0 : i32, i32
  }
  func.func @transform_3(%arg0: i32) -> (i32, i32) {
    %c0_i32 = arith.constant 0 : i32
    %c0_i32_0 = arith.constant 0 : i32
    return %arg0, %c0_i32 : i32, i32
  }
}

</mosaic_0001>

<sc_bundles>
// kernel: gather_offload_async_start
scs
__scs_entry_jumppad:
0x0: {  	(pc) =	sbr.rel $0x88, $3  }
0x1: {  	(tag) =	ssettag $0x0;
	lr =	simm.s32 $0x1  }
0x2: {  	[smem:$0x3F89] =	sst lr;
	_ =	strace $0xD0000000  }
0x3: {  	_ = 	snop  }
0x4: {  	_ = 	snop  }
0x5: {  	_ = 	snop  }
0x6: {  	_ = 	snop  }
0x7: {  	_ = 	snop  }
__scs_overlays_trampoline_lowered:
0x8: {  	[smem:$0x3F98] =	sst s0  }
0x9: {  	[smem:$0x3F99] =	sst s1  }
0xa: {  	[smem:$0x3F9A] =	sst s2  }
0xb: {  	[smem:$0x3F9B] =	sst s3  }
0xc: {  	[smem:$0x3F9C] =	sst s4  }
0xd: {  	[smem:$0x3F9D] =	sst s5  }
0xe: {  	[smem:$0x3F9E] =	sst s6  }
0xf: {  	[smem:$0x3F9F] =	sst s7  }
0x10: {  	[smem:$0x3FA0] =	sst s8  }
0x11: {  	[smem:$0x3FA1] =	sst s9;
	s0 =	simm.s32 @!p0 $0x0  }
0x12: {  	s1 =	sld [smem:$0x3F87];
	s0 =	simm.s32 @p0 $0x1  }
0x13: {  	[smem:$0x3FA2] =	sst s0;
	s0 =	simm.s32 @!p1 $0x0  }
0x14: {  	s2 =	sld [smem:$0x3F86];
	s0 =	simm.s32 @p1 $0x1  }
0x15: {  	[smem:$0x3FA3] =	sst s0;
	s0 =	simm.s32 @!p2 $0x0  }
0x16: {  	s3 =	sld [smem:$0x3FDB];
	s0 =	simm.s32 @p2 $0x1  }
0x17: {  	s4 =	simm.s32 $0x1BF5;
	[smem:$0x3FA5] =	sst s0  }
0x18: {  	s0 =	sld [smem:$0x3F88];
	_ =	swait.ge [sflag:s4], $0x0  }
0x19: {  	s7 =	sld [smem:$0x3F89]  }
0x1a: {  	s8 =	sadd.s32 $0xFFFFE003, lr  }
0x1b: {  	s9 =	sadd.s32 $0xFFFFFEF7, lr;
	s5 =	simm.s32 $0xFFFFFFFF;
	p2 =	slt.u32 s8, $0xFFFFF086  }
0x1c: {  	p1 =	slt.u32 s9, $0xF7A;
	s5 =	simm.s32 @!p2 $0x0  }
0x1d: {  	s5 =	simm.s32 @p1 $0x1;
	p0 =	seq.s32 s7, s2  }
0x1e: {  	s7 =	smul.u32 @!p0 $0xF7A, s2;
	p2 =	seq.s32 @!p0 s5, $0x0  }
0x1f: {  	s9 =	smul.u32 $0xF7A, s1;
	s8 =	simm.s32 @!p0 $0x1BF5;
	p2 =	por !p2, p0  }
0x20: {  	[sflag:s8] =	ssyncset.s32 @!p0 $0xFFFFF086;
	s6 =	sadd.s32 @!p0 s3, s7;
	s7 =	simm.s32 @!p0 $0x108  }
0x21: {  	s3 =	sadd.s32 s3, s9;
	s6 =	sadd.s32 @!p0 $0x88, s6;
	s7 =	simm.s32 @p2 $0x1082  }
0x22: {  	[simem:s7], [sflag:s8] =	dma.local @!p0 [hbm:s6], $0xF7A  }
0x23: {  	s9 =	sor.u32 $0xD0000000, s2;
	s6 =	simm.s32 $0x108;
	_ =	swait.ge @!p0 [sflag:s8], $0x0  }
0x24: {  	s3 =	sadd.s32 $0x88, s3;
	s6 =	simm.s32 @!p1 $0x1082;
	[sflag:s4] =	ssyncset.s32 $0xFFFFF086  }
0x25: {  	[simem:s6], [sflag:s4] =	dma.local [hbm:s3], $0xF7A  }
0x26: {  	[smem:$0x3F89] =	sst s1;
	(tag) =	ssettag s2;
	_ =	strace s9  }
0x27: {  	s1 =	sld [smem:$0x3F99]  }
0x28: {  	s2 =	sld [smem:$0x3F9A]  }
0x29: {  	s4 =	sld [smem:$0x3F9C]  }
0x2a: {  	p0 =	seq.s32 s5, $0x0;
	s5 =	sld [smem:$0x3F9D]  }
0x2b: {  	s6 =	sld [smem:$0x3F9E]  }
0x2c: {  	s7 =	sld [smem:$0x3F9F]  }
0x2d: {  	s3 =	simm.s32 $0x108;
	s8 =	sld [smem:$0x3FA0]  }
0x2e: {  	s3 =	simm.s32 @!p0 $0x1082;
	s9 =	sld [smem:$0x3FA1]  }
0x2f: {  	lr =	sadd.s32 s0, s3;
	s0 =	sld [smem:$0x3F98]  }
0x30: {  	s3 =	sld [smem:$0x3F9B]  }
0x31: {  	[smem:$0x3FA4] =	sst s10  }
0x32: {  	s10 =	sld [smem:$0x3FA2];
	_ =	sdelay $0x3  }
0x33: {  	p0 =	seq.s32 s10, $0x1;
	s10 =	sld [smem:$0x3FA4];
	_ =	sdelay $0x3  }
0x34: {  	[smem:$0x3FA4] =	sst s10  }
0x35: {  	s10 =	sld [smem:$0x3FA3];
	_ =	sdelay $0x3  }
0x36: {  	p1 =	seq.s32 s10, $0x1;
	s10 =	sld [smem:$0x3FA4];
	_ =	sdelay $0x3  }
0x37: {  	[smem:$0x3FA4] =	sst s10  }
0x38: {  	s10 =	sld [smem:$0x3FA5]  }
0x39: {  	_ = 	snop;
	(pc) =	sbr.ind lr, $3  }
0x3a: {  	_ = 	snop  }
0x3b: {  	_ = 	snop  }
0x3c: {  	p2 =	seq.s32 s10, $0x1;
	s10 =	sld [smem:$0x3FA4]  }
0x3d: {  	_ =	shalt  }
0x3e: {  	_ =	shalt  }
0x3f: {  	_ =	shalt  }
0x40: {  	_ =	shalt  }
0x41: {  	_ =	shalt  }
0x42: {  	_ =	shalt  }
0x43: {  	_ =	shalt  }
0x44: {  	_ =	shalt  }
0x45: {  	_ =	shalt  }
0x46: {  	_ =	shalt  }
0x47: {  	_ =	shalt  }
0x48: {  	_ =	shalt  }
0x49: {  	_ =	shalt  }
0x4a: {  	_ =	shalt  }
0x4b: {  	_ =	shalt  }
0x4c: {  	_ =	shalt  }
0x4d: {  	_ =	shalt  }
0x4e: {  	_ =	shalt  }
0x4f: {  	_ =	shalt  }
0x50: {  	_ =	shalt  }
0x51: {  	_ =	shalt  }
0x52: {  	_ =	shalt  }
0x53: {  	_ =	shalt  }
0x54: {  	_ =	shalt  }
0x55: {  	_ =	shalt  }
0x56: {  	_ =	shalt  }
0x57: {  	_ =	shalt  }
0x58: {  	_ =	shalt  }
0x59: {  	_ =	shalt  }
0x5a: {  	_ =	shalt  }
0x5b: {  	_ =	shalt  }
0x5c: {  	_ =	shalt  }
0x5d: {  	_ =	shalt  }
0x5e: {  	_ =	shalt  }
0x5f: {  	_ =	shalt  }
0x60: {  	_ =	shalt  }
0x61: {  	_ =	shalt  }
0x62: {  	_ =	shalt  }
0x63: {  	_ =	shalt  }
0x64: {  	_ =	shalt  }
0x65: {  	_ =	shalt  }
0x66: {  	_ =	shalt  }
0x67: {  	_ =	shalt  }
0x68: {  	_ =	shalt  }
0x69: {  	_ =	shalt  }
0x6a: {  	_ =	shalt  }
0x6b: {  	_ =	shalt  }
0x6c: {  	_ =	shalt  }
0x6d: {  	_ =	shalt  }
0x6e: {  	_ =	shalt  }
0x6f: {  	_ =	shalt  }
0x70: {  	_ =	shalt  }
0x71: {  	_ =	shalt  }
0x72: {  	_ =	shalt  }
0x73: {  	_ =	shalt  }
0x74: {  	_ =	shalt  }
0x75: {  	_ =	shalt  }
0x76: {  	_ =	shalt  }
0x77: {  	_ =	shalt  }
0x78: {  	_ =	shalt  }
0x79: {  	_ =	shalt  }
0x7a: {  	_ =	shalt  }
0x7b: {  	_ =	shalt  }
0x7c: {  	_ =	shalt  }
0x7d: {  	_ =	shalt  }
0x7e: {  	_ =	shalt  }
0x7f: {  	_ =	shalt  }
0x80: {  	_ =	shalt  }
0x81: {  	_ =	shalt  }
0x82: {  	_ =	shalt  }
0x83: {  	_ =	shalt  }
0x84: {  	_ =	shalt  }
0x85: {  	_ =	shalt  }
0x86: {  	_ =	shalt  }
0x87: {  	_ =	shalt  }
.Lfunc_end0:
.L_simem_size_0:
called_computation_lowered:
.L_overlay_start_0:
0x88: {  	s2 =	sld [smem:$0x3FD9]  }
0x89: {  	s3 =	sld [smem:$0x3FFE];
	_ =	sdelay $0x1  }
0x8a: {  	s1 =	srdreg.scid  }
0x8b: {  	s0 =	sand.u32 $0x1, s1  }
0x8c: {  	s17 =	sshll.u32 s0, $0xA;
	s2 =	sadd.s32 s3, s2  }
0x8d: {  	s2 =	sadd.s32 s2, s17  }
0x8e: {  	[smem:$0x3FB0] =	sst s2  }
0x8f: {  	_ = 	snop  }
0x90: {  	(tm) =	ssettm $0x1  }
0x91: {  	s18 =	sld [smem:$0x3FFB];
	_ =	sdelay $0x3  }
0x92: {  	_ =	strace s18  }
0x93: {  	s2 =	sld [smem:$0x3FFC];
	_ =	sdelay $0x3  }
0x94: {  	_ =	strace s2  }
0x95: {  	s2 =	sld [smem:$0x3FFD];
	_ =	sdelay $0x3  }
0x96: {  	_ =	strace s2  }
0x97: {  	_ =	strace $0x8FFFFFFF  }
0x98: {  	s19 =	sld [smem:$0x3FDB];
	_ =	sdelay $0x1  }
0x99: {  	s20 =	simm.s32 $_scs_section_size  }
0x9a: {  	s4 =	simm.s32 $_size__tile_overlayer_lowered;
	s5 =	simm.s32 $_tile_overlayer_lowered  }
0x9b: {  	s6 =	simm.s32 $0x1BFF;
	s21 =	sshll.u32 s5, $0x1;
	s3 =	sadd.s32 s20, s19  }
0x9c: {  	s22 =	simm.s32 $0x0;
	s4 =	sshll.u32 s4, $0x1;
	s5 =	sadd.s32 s21, s3  }
0x9d: {  	[timem:s22], [sflag:s6] =	dma.local [hbm:s5], s4  }
0x9e: {  	_ =	swait.ge [sflag:s6], s4  }
0x9f: {  	s4 =	ssub.s32 $0x0, s4;
	[sflag:s6] =	ssyncset.done $0x0  }
0xa0: {  	[sflag:s6] =	ssyncadd.s32 s4;
	_ =	sdelay $0x1  }
0xa1: {  	s23 =	simm.s32 $0x1B8B  }
0xa2: {  	_ =	swait.ge [sflag:s23], $0x1  }
0xa3: {  	[sflag:s23] =	ssyncset.done $0x0  }
0xa4: {  	[sflag:s23] =	ssyncadd.s32 $0xFFFFFFFF  }
0xa5: {  	s4 =	sld [smem:$0x0]  }
0xa6: {  	s5 =	sand.u32 $0xFFFFFFFE, s1  }
0xa7: {  	p0 =	sne.s32 s1, s5  }
0xa8: {  	s5 =	sshll.u32 @p0 s5, $0xE  }
0xa9: {  	s5 =	sadd.s32 @p0 $0x11B8D, s5;
	s6 =	sshll.u32 @p0 s4, $0x11  }
0xaa: {  	s5 =	sor.u32 @p0 s6, s5  }
0xab: {  	[sflag:s5] =	ssyncadd.remote.s32 @p0 $0x1;
	_ =	sdelay $0x1  }
0xac: {  	s5 =	simm.s32 @p0 $0x1B8D  }
0xad: {  	_ =	swait.eq @p0 [sflag:s5], $0x1  }
0xae: {  	[sflag:s5] =	ssyncadd.s32 @p0 $0xFFFFFFFF  }
0xaf: {  	s6 =	sshll.u32 @!p0 s1, $0xE  }
0xb0: {  	s6 =	sor.u32 @!p0 $0x4000, s6;
	s5 =	simm.s32 @!p0 $0x1B8D  }
0xb1: {  	s4 =	sshll.u32 @!p0 s4, $0x11;
	s6 =	sadd.s32 @!p0 $0x11B8D, s6;
	_ =	swait.eq @!p0 [sflag:s5], $0x1  }
0xb2: {  	s4 =	sor.u32 @!p0 s4, s6;
	[sflag:s5] =	ssyncadd.s32 @!p0 $0xFFFFFFFF  }
0xb3: {  	s25 =	simm.s32 $0x1B8E;
	s24 =	sld [smem:$0x3FFE];
	[sflag:s4] =	ssyncadd.remote.s32 @!p0 $0x1  }
0xb4: {  	s26 =	simm.s32 $execute0_lowered;
	[smem:$0x3FD2] =	sst s25  }
0xb5: {  	s5 =	sshll.u32 s26, $0x1;
	_ =	strace $0x80000049;
	[dreg:$0x1] =	wrdreg $0xFFFFFFFF  }
0xb6: {  	s28 =	simm.s32 $_size_execute0_lowered;
	s3 =	sadd.s32 s3, s5;
	[dreg:$0x0] =	wrdreg $0x0  }
0xb7: {  	s5 =	sshll.u32 s28, $0x1;
	[dreg:$0x2] =	wrdreg s3  }
0xb8: {  	[dreg:$0x3] =	wrdreg s5  }
0xb9: {  	[dreg:$0x4] =	wrdreg $0xC0  }
0xba: {  	_ =	task [dreg:s22], $0x5FFFF  }
0xbb: {  	[dreg:$0x1] =	wrdreg $0xFFFFFFFF  }
0xbc: {  	[dreg:$0x0] =	wrdreg $0x60  }
0xbd: {  	[dreg:$0x2] =	wrdreg s24  }
0xbe: {  	[dreg:$0x3] =	wrdreg $0x9  }
0xbf: {  	_ =	task.clear_ibuf [dreg:s22], $0x4FFFF;
	_ =	strace $0x90000049  }
0xc0: {  	s29 =	simm.s32 $0x9;
	_ =	strace $0x8000004B  }
0xc1: {  	_ =	swait.ge [sflag:s29], $0x1  }
0xc2: {  	[sflag:s29] =	ssyncadd.s32 $0xFFFFFFFF  }
0xc3: {  	_ =	strace $0x9000004B  }
0xc4: {  	_ =	sfence  }
0xc5: {  	s30 =	sld [smem:$0x0];
	_ =	sdelay $0x2  }
0xc6: {  	s31 =	sshll.u32 s1, $0xD;
	s1 =	sshrl.u32 s1, $0x2  }
0xc7: {  	s4 =	sand.u32 $0x4000, s31;
	s1 =	sadd.s32 s1, s30  }
0xc8: {  	s0 =	sor.u32 s4, s0;
	s1 =	sshll.u32 s1, $0x11  }
0xc9: {  	s0 =	sor.u32 s1, s0  }
0xca: {  	s0 =	sadd.s32 $0x8F2B, s0  }
0xcb: {  	[sflag:s0] =	ssyncadd.remote.s32 $0x1  }
0xcc: {  	_ =	sfence.sel $0xFFFF  }
0xcd: {  	[dreg:$0x0] =	wrdreg $0xFFFFFFFF;
	(pc) =	sbr.abs _section_cstart, $3  }
0xce: {  	[dreg:$0x1] =	wrdreg $0xFFFFFFFF  }
0xcf: {  	_ =	task.clear_ibuf [dreg:s22], $0x2FFFF;
	_ =	strace $0x9FFFFFFF  }
0xd0: {  	(tm) =	ssettm $0x7FFFFFFF  }
0xd1: {  	_ =	shalt  }
tec
execute0_lowered:
.L_overlay_start_1:
0x0: {  	(tag) =	ssettag $0x1  }
0x1: {  	s0 =	srdreg.scid  }
0x2: {  	s1 =	sshll.u32 s0, $0x4  }
0x3: {  	s0 =	stileid.u32;
	s1 =	sand.u32 $0x10, s1  }
0x4: {  	s1 =	sor.u32 s0, s1  }
0x5: {  	s2 =	smul.u32 $0x7, s1  }
0x6: {  	s3 =	smin.u32 s1, $0x1A  }
0x7: {  	s2 =	sadd.s32 s3, s2  }
0x8: {  	p0 =	slt.u32 s1, $0x1A;
	s1 =	simm.s32 $0xC80;
	s2 =	smul.u32 $0x190, s2  }
0x9: {  	s1 =	simm.s32 @!p0 $0xAF0  }
0xa: {  	s1 =	sadd.s32 s1, s2  }
0xb: {  	s3 =	smin.u32 s1, $0x186A0  }
0xc: {  	s7 =	ssub.s32 s3, s2  }
0xd: {  	p0 =	sgt.s32 s7, $0x0  }
0xe: {  	s7 =	simm.s32 @!p0 $0x0  }
0xf: {  	s4 =	smulhi.u32 $0x51EB851F, s7  }
0x10: {  	s9 =	rddreg [dreg:$0x0];
	s6 =	simm.s32 $0x1;
	s11 =	simm.s32 $0x3  }
0x11: {  	s13 =	simm.s32 $0x0;
	s12 =	simm.s32 $0x0;
	s8 =	sshrl.u32 s4, $0x7  }
0x12: {  	s1 =	rddreg [dreg:$0x1];
	_ =	strace $0x8000004A;
	s10 =	smul.u32 $0x190, s8  }
.Ltmp0:
0x13: {  	s5 =	sadd.s32 $0x23B400, s9;
	[sflag:s6] =	ssyncpa.u1 $0x0;
	(pc) =	sbr.rel .LBB2_1-.Ltmp0, $4  }
0x14: {  	s4 =	sadd.s32 $0xB4A00, s9;
	p0 =	sne.s32 s7, s10;
	s10 =	simm.s32 $0x1  }
0x15: {  	s9 =	sadd.s32 $0x23E600, s9;
	s7 =	simm.s32 $0x2;
	s10 =	simm.s32 @!p0 $0x0  }
0x16: {  	[sflag:s7] =	ssyncpa.u1 $0x0;
	p0 =	por $0x0, $0x0;
	s8 =	sadd.s32 s10, s8  }
0x17: {  	vm0 =	vmmov $0xff;
	vm1 =	vcmask $0x3F20;
	[sflag:s11] =	ssyncpa.u1 $0x0;
	s11 =	smov.u32 s2;
	s10 =	sadd.s32 $0x1, s8  }
.LBB2_6:
0x18: {  	[hbm:s17] =	stream.linear.scatter [tilespmem:s14], [sflag:$0x3], $0x400, $0x38;
	[tilespmem:$0x19320] =	vst v63  }
.LBB2_7:
0x19: {  	s13 =	sadd.s32 $0x190, s11  }
0x1a: {  	s15 =	smov.u32 s2;
	p2 =	slt.s32 s13, s3  }
0x1b: {  	s15 =	smov.u32 @p2 s13;
	p2 =	sne.s32 s12, s10  }
.Ltmp1:
0x1c: {  	p1 =	slt.u32 s12, $0x2;
	(pc) =	sbr.rel @!p2 .LBB2_8-.Ltmp1, $4  }
0x1d: {  	s14 =	simm.s32 @!p1 $0x3  }
0x1e: {  	s16 =	sadd.s32 $0x1, s12;
	_ =	swait.ge @!p1 [sflag:s14], $0xC800  }
0x1f: {  	p0 =	por !p0, !p0;
	s13 =	smov.u32 s11;
	[sflag:s14] =	ssyncset.done @!p1 $0x0  }
0x20: {  	s12 =	smov.u32 s16;
	s11 =	smov.u32 s15;
	[sflag:s14] =	ssyncadd.s32 @!p1 $0xFFFF3800  }
.LBB2_1:
0x21: {  	p1 =	sge.u32 s12, s8  }
0x22: {  	s14 =	sxor.u32 @!p1 $0xFFFFFFFF, s12  }
0x23: {  	s14 =	sand.u32 @!p1 $0x1, s14  }
0x24: {  	s14 =	smul.u32 @!p1 $0x640, s14  }
0x25: {  	s31 =	sadd.s32 $0xFFFFFFFF, s12;
	s15 =	sshrl.u32 @!p1 s11, $0x3  }
0x26: {  	s16 =	sand.u32 @!p1 $0x7, s11;
	s15 =	sadd.s32 @!p1 s5, s15;
	s14 =	sshrl.u32 @!p1 s14, $0x2  }
0x27: {  	[tilespmem:s14], [sflag:$0x2] =	stream.linear.gather @!p1 [hbm4b:s15+s16], $0x190, $0x38;
	[tilespmem:$0x19320] =	vst v63  }
0x28: {  	p1 =	sge.u32 s31, s8  }
.Ltmp2:
0x29: {  	_ = 	snop;
	(pc) =	sbr.rel @p1 .LBB2_7-.Ltmp2, $1  }
0x2a: {  	_ =	sdelay $0x3  }
0x2b: {  	s14 =	simm.s32 $0x1  }
0x2c: {  	s14 =	simm.s32 @!p0 $0x0  }
0x2d: {  	s15 =	smul.u32 $0x640, s14  }
0x2e: {  	_ =	swait.ge [sflag:s7], $0x190  }
0x2f: {  	[sflag:s7] =	ssyncset.done $0x0;
	s16 =	sshrl.u32 s15, $0x2  }
0x30: {  	[sflag:s7] =	ssyncadd.s32 $0xFFFFFE70;
	s15 =	sadd.s32 $0x0, s16  }
0x31: {  	v0 =	vld.msk [tilespmem:s15+$0x0 ss:$0x1], $0xffff;
	_ =	sdelay $0x4  }
0x32: {  	vm2 =	vgt.s32 v0, $0x0  }
0x33: {  	v0 =	vnsel vm2, $0x0, v0  }
0x34: {  	v0 =	vmin.u32 v0, $0x1869F  }
0x35: {  	v0 =	vshll.u32 v0, $0x4  }
0x36: {  	s14 =	smul.u32 $0x32000, s14;
	_ =	sdelay $0x1  }
0x37: {  	s14 =	sshrl.u32 s14, $0x2  }
0x38: {  	s14 =	sor.u32 $0x320, s14  }
0x39: {  	[tilespmem:s14], [sflag:$0x1] =	stream.indirect_vreg.gather [hbm:s4], $0x80, v0, vm0, $0x38;
	[tilespmem:$0x19320] =	vst v63  }
0x3a: {  	s17 =	sadd.s32 $0x10, s16;
	s15 =	sadd.s32 $0x400, s14  }
0x3b: {  	[tilespmem:s15], [sflag:$0x1] =	stream.indirect_vreg.gather [hbm:s4], $0x80, v0, vm1, $0x38;
	[tilespmem:$0x19320] =	vst v63  }
0x3c: {  	s18 =	simm.s32 $0x80;
	v0 =	vld.msk [tilespmem:s17+$0x0 ss:$0x1], $0xffff;
	s17 =	smov.u32 s14  }
.LBB2_3:
0x3d: {  	p1 =	sne.s32 s18, $0x600;
	_ =	sdelay $0x4  }
0x3e: {  	vm2 =	vgt.s32 v0, $0x0  }
0x3f: {  	v0 =	vnsel vm2, $0x0, v0  }
0x40: {  	v0 =	vmin.u32 v0, $0x1869F  }
0x41: {  	v0 =	vshll.u32 v0, $0x4;
	_ =	sdelay $0x3  }
.Ltmp3:
0x42: {  	s19 =	sshra.s32 s18, $0x2;
	s17 =	sadd.s32 $0x800, s17;
	(pc) =	sbr.rel @p1 .LBB2_3-.Ltmp3, $4  }
0x43: {  	[tilespmem:s17], [sflag:$0x1] =	stream.indirect_vreg.gather [hbm:s4], $0x80, v0, vm0, $0x38;
	[tilespmem:$0x19320] =	vst v63  }
0x44: {  	s19 =	sadd.s32 s19, s16;
	s20 =	sadd.s32 $0x400, s17  }
0x45: {  	[tilespmem:s20], [sflag:$0x1] =	stream.indirect_vreg.gather [hbm:s4], $0x80, v0, vm1, $0x38;
	[tilespmem:$0x19320] =	vst v63  }
0x46: {  	s18 =	sadd.s32 $0x40, s18;
	v0 =	vld.msk [tilespmem:s19+$0x0 ss:$0x1], $0xffff  }
0x47: {  	_ =	sdelay $0x3  }
0x48: {  	vm2 =	vgt.s32 v0, $0x0  }
0x49: {  	v0 =	vnsel vm2, $0x0, v0  }
0x4a: {  	v0 =	vmin.u32 v0, $0x1869F  }
0x4b: {  	v0 =	vshll.u32 v0, $0x4;
	_ =	sdelay $0x3  }
0x4c: {  	s16 =	sadd.s32 $0x800, s17  }
0x4d: {  	[tilespmem:s16], [sflag:$0x1] =	stream.indirect_vreg.gather [hbm:s4], $0x80, v0, vm0, $0x38;
	[tilespmem:$0x19320] =	vst v63  }
0x4e: {  	s16 =	sadd.s32 $0x400, s16  }
0x4f: {  	[tilespmem:s16], [sflag:$0x1] =	stream.indirect_vreg.gather [hbm:s4], $0x80, v0, vm1, $0x38;
	[tilespmem:$0x19320] =	vst v63  }
0x50: {  	s13 =	sshll.u32 s13, $0x4;
	_ =	swait.ge [sflag:s6], $0xC800  }
0x51: {  	s13 =	sadd.s32 s13, s9;
	[sflag:s6] =	ssyncset.done $0x0  }
0x52: {  	s17 =	sadd.s32 $0x0, s13;
	s16 =	simm.s32 $0x80;
	[sflag:s6] =	ssyncadd.s32 $0xFFFF3800  }
.LBB2_5:
0x53: {  	[hbm:s17] =	stream.linear.scatter [tilespmem:s14], [sflag:$0x3], $0x400, $0x38;
	[tilespmem:$0x19320] =	vst v63  }
0x54: {  	s17 =	smov.u32 s16;
	s14 =	smov.u32 s15;
	p1 =	sne.s32 s16, $0x1880  }
.Ltmp4:
0x55: {  	s16 =	sadd.s32 $0x80, s16;
	(pc) =	sbr.rel @p1 .LBB2_5-.Ltmp4, $2  }
0x56: {  	_ =	sdelay $0x2  }
0x57: {  	s15 =	sadd.s32 $0x400, s15;
	s17 =	sadd.s32 s17, s13  }
.Ltmp5:
0x58: {  	_ = 	snop;
	(pc) =	sbr.rel .LBB2_6-.Ltmp5, $1  }
0x59: {  	_ =	sdelay $0x3  }
.LBB2_8:
0x5a: {  	_ =	sfence.sel $0x180000  }
0x5b: {  	s2 =	simm.s32 $0x2;
	[bflag:$0x0] =	sbarrier.arrive $0xFFFF  }
0x5c: {  	s30 =	simm.s32 $0x3;
	[sflag:s2] =	ssyncpa.u1 $0x1  }
0x5d: {  	s31 =	simm.s32 $0x1;
	[sflag:s30] =	ssyncpa.u1 $0x1  }
0x5e: {  	[sflag:s31] =	ssyncpa.u1 $0x1  }
0x5f: {  	p0 =	sne.s32 s0, $0x0;
	_ =	strace $0x9000004A  }
0x60: {  	s0 =	sadd.s32 @!p0 $0x100000, s1;
	[bflag:$0x2] =	sbarrier.arrive $0xFFFF  }
0x61: {  	[sflag:s0] =	ssyncadd.tile.s32 @!p0 $0x1;
	_ =	shalt  }
.Lfunc_end2:
_tile_overlayer_lowered:
.L_overlay_start_2:
0x62: {  	(tag) =	ssettag $0x2  }
0x63: {  	s0 =	rddreg [dreg:$0x0];
	s2 =	stileid.u32  }
0x64: {  	s1 =	rddreg [dreg:$0x1];
	p0 =	sne.s32 s2, $0x0  }
0x65: {  	s3 =	rddreg [dreg:$0x2];
	[bflag:$0x3] =	sbarrier.arrive $0xFFFF;
	s2 =	simm.s32 @!p0 $0x1C01  }
0x66: {  	[timem:s3], [sflag:s2] =	dma.local @!p0 [hbm:s0], s1  }
0x67: {  	s0 =	simm.s32 @!p0 $0x1  }
0x68: {  	_ =	swait.ge @!p0 [sflag:s0], s1  }
0x69: {  	s1 =	ssub.s32 @!p0 $0x0, s1;
	[sflag:s0] =	ssyncset.done @!p0 $0x0  }
0x6a: {  	[sflag:s0] =	ssyncadd.s32 @!p0 s1  }
0x6b: {  	[bflag:$0x3] =	sbarrier.arrive $0xFFFF  }
0x6c: {  	_ =	shalt  }

// kernel: kernel.12.cloned.1.call-start
scs
__scs_entry_jumppad:
0x0: {  	(pc) =	sbr.rel $0x88, $3  }
0x1: {  	(tag) =	ssettag $0x0;
	lr =	simm.s32 $0x1  }
0x2: {  	[smem:$0x3F89] =	sst lr;
	_ =	strace $0xD0000000  }
0x3: {  	_ = 	snop  }
0x4: {  	_ = 	snop  }
0x5: {  	_ = 	snop  }
0x6: {  	_ = 	snop  }
0x7: {  	_ = 	snop  }
__scs_overlays_trampoline_lowered:
0x8: {  	[smem:$0x3F98] =	sst s0  }
0x9: {  	[smem:$0x3F99] =	sst s1  }
0xa: {  	[smem:$0x3F9A] =	sst s2  }
0xb: {  	[smem:$0x3F9B] =	sst s3  }
0xc: {  	[smem:$0x3F9C] =	sst s4  }
0xd: {  	[smem:$0x3F9D] =	sst s5  }
0xe: {  	[smem:$0x3F9E] =	sst s6  }
0xf: {  	[smem:$0x3F9F] =	sst s7  }
0x10: {  	[smem:$0x3FA0] =	sst s8  }
0x11: {  	[smem:$0x3FA1] =	sst s9;
	s0 =	simm.s32 @!p0 $0x0  }
0x12: {  	s1 =	sld [smem:$0x3F87];
	s0 =	simm.s32 @p0 $0x1  }
0x13: {  	[smem:$0x3FA2] =	sst s0;
	s0 =	simm.s32 @!p1 $0x0  }
0x14: {  	s2 =	sld [smem:$0x3F86];
	s0 =	simm.s32 @p1 $0x1  }
0x15: {  	[smem:$0x3FA3] =	sst s0;
	s0 =	simm.s32 @!p2 $0x0  }
0x16: {  	s3 =	sld [smem:$0x3FDB];
	s0 =	simm.s32 @p2 $0x1  }
0x17: {  	s4 =	simm.s32 $0x1BF5;
	[smem:$0x3FA5] =	sst s0  }
0x18: {  	s0 =	sld [smem:$0x3F88];
	_ =	swait.ge [sflag:s4], $0x0  }
0x19: {  	s7 =	sld [smem:$0x3F89]  }
0x1a: {  	s8 =	sadd.s32 $0xFFFFE003, lr  }
0x1b: {  	s9 =	sadd.s32 $0xFFFFFEF7, lr;
	s5 =	simm.s32 $0xFFFFFFFF;
	p2 =	slt.u32 s8, $0xFFFFF086  }
0x1c: {  	p1 =	slt.u32 s9, $0xF7A;
	s5 =	simm.s32 @!p2 $0x0  }
0x1d: {  	s5 =	simm.s32 @p1 $0x1;
	p0 =	seq.s32 s7, s2  }
0x1e: {  	s7 =	smul.u32 @!p0 $0xF7A, s2;
	p2 =	seq.s32 @!p0 s5, $0x0  }
0x1f: {  	s9 =	smul.u32 $0xF7A, s1;
	s8 =	simm.s32 @!p0 $0x1BF5;
	p2 =	por !p2, p0  }
0x20: {  	[sflag:s8] =	ssyncset.s32 @!p0 $0xFFFFF086;
	s6 =	sadd.s32 @!p0 s3, s7;
	s7 =	simm.s32 @!p0 $0x108  }
0x21: {  	s3 =	sadd.s32 s3, s9;
	s6 =	sadd.s32 @!p0 $0x88, s6;
	s7 =	simm.s32 @p2 $0x1082  }
0x22: {  	[simem:s7], [sflag:s8] =	dma.local @!p0 [hbm:s6], $0xF7A  }
0x23: {  	s9 =	sor.u32 $0xD0000000, s2;
	s6 =	simm.s32 $0x108;
	_ =	swait.ge @!p0 [sflag:s8], $0x0  }
0x24: {  	s3 =	sadd.s32 $0x88, s3;
	s6 =	simm.s32 @!p1 $0x1082;
	[sflag:s4] =	ssyncset.s32 $0xFFFFF086  }
0x25: {  	[simem:s6], [sflag:s4] =	dma.local [hbm:s3], $0xF7A  }
0x26: {  	[smem:$0x3F89] =	sst s1;
	(tag) =	ssettag s2;
	_ =	strace s9  }
0x27: {  	s1 =	sld [smem:$0x3F99]  }
0x28: {  	s2 =	sld [smem:$0x3F9A]  }
0x29: {  	s4 =	sld [smem:$0x3F9C]  }
0x2a: {  	p0 =	seq.s32 s5, $0x0;
	s5 =	sld [smem:$0x3F9D]  }
0x2b: {  	s6 =	sld [smem:$0x3F9E]  }
0x2c: {  	s7 =	sld [smem:$0x3F9F]  }
0x2d: {  	s3 =	simm.s32 $0x108;
	s8 =	sld [smem:$0x3FA0]  }
0x2e: {  	s3 =	simm.s32 @!p0 $0x1082;
	s9 =	sld [smem:$0x3FA1]  }
0x2f: {  	lr =	sadd.s32 s0, s3;
	s0 =	sld [smem:$0x3F98]  }
0x30: {  	s3 =	sld [smem:$0x3F9B]  }
0x31: {  	[smem:$0x3FA4] =	sst s10  }
0x32: {  	s10 =	sld [smem:$0x3FA2];
	_ =	sdelay $0x3  }
0x33: {  	p0 =	seq.s32 s10, $0x1;
	s10 =	sld [smem:$0x3FA4];
	_ =	sdelay $0x3  }
0x34: {  	[smem:$0x3FA4] =	sst s10  }
0x35: {  	s10 =	sld [smem:$0x3FA3];
	_ =	sdelay $0x3  }
0x36: {  	p1 =	seq.s32 s10, $0x1;
	s10 =	sld [smem:$0x3FA4];
	_ =	sdelay $0x3  }
0x37: {  	[smem:$0x3FA4] =	sst s10  }
0x38: {  	s10 =	sld [smem:$0x3FA5]  }
0x39: {  	_ = 	snop;
	(pc) =	sbr.ind lr, $3  }
0x3a: {  	_ = 	snop  }
0x3b: {  	_ = 	snop  }
0x3c: {  	p2 =	seq.s32 s10, $0x1;
	s10 =	sld [smem:$0x3FA4]  }
0x3d: {  	_ =	shalt  }
0x3e: {  	_ =	shalt  }
0x3f: {  	_ =	shalt  }
0x40: {  	_ =	shalt  }
0x41: {  	_ =	shalt  }
0x42: {  	_ =	shalt  }
0x43: {  	_ =	shalt  }
0x44: {  	_ =	shalt  }
0x45: {  	_ =	shalt  }
0x46: {  	_ =	shalt  }
0x47: {  	_ =	shalt  }
0x48: {  	_ =	shalt  }
0x49: {  	_ =	shalt  }
0x4a: {  	_ =	shalt  }
0x4b: {  	_ =	shalt  }
0x4c: {  	_ =	shalt  }
0x4d: {  	_ =	shalt  }
0x4e: {  	_ =	shalt  }
0x4f: {  	_ =	shalt  }
0x50: {  	_ =	shalt  }
0x51: {  	_ =	shalt  }
0x52: {  	_ =	shalt  }
0x53: {  	_ =	shalt  }
0x54: {  	_ =	shalt  }
0x55: {  	_ =	shalt  }
0x56: {  	_ =	shalt  }
0x57: {  	_ =	shalt  }
0x58: {  	_ =	shalt  }
0x59: {  	_ =	shalt  }
0x5a: {  	_ =	shalt  }
0x5b: {  	_ =	shalt  }
0x5c: {  	_ =	shalt  }
0x5d: {  	_ =	shalt  }
0x5e: {  	_ =	shalt  }
0x5f: {  	_ =	shalt  }
0x60: {  	_ =	shalt  }
0x61: {  	_ =	shalt  }
0x62: {  	_ =	shalt  }
0x63: {  	_ =	shalt  }
0x64: {  	_ =	shalt  }
0x65: {  	_ =	shalt  }
0x66: {  	_ =	shalt  }
0x67: {  	_ =	shalt  }
0x68: {  	_ =	shalt  }
0x69: {  	_ =	shalt  }
0x6a: {  	_ =	shalt  }
0x6b: {  	_ =	shalt  }
0x6c: {  	_ =	shalt  }
0x6d: {  	_ =	shalt  }
0x6e: {  	_ =	shalt  }
0x6f: {  	_ =	shalt  }
0x70: {  	_ =	shalt  }
0x71: {  	_ =	shalt  }
0x72: {  	_ =	shalt  }
0x73: {  	_ =	shalt  }
0x74: {  	_ =	shalt  }
0x75: {  	_ =	shalt  }
0x76: {  	_ =	shalt  }
0x77: {  	_ =	shalt  }
0x78: {  	_ =	shalt  }
0x79: {  	_ =	shalt  }
0x7a: {  	_ =	shalt  }
0x7b: {  	_ =	shalt  }
0x7c: {  	_ =	shalt  }
0x7d: {  	_ =	shalt  }
0x7e: {  	_ =	shalt  }
0x7f: {  	_ =	shalt  }
0x80: {  	_ =	shalt  }
0x81: {  	_ =	shalt  }
0x82: {  	_ =	shalt  }
0x83: {  	_ =	shalt  }
0x84: {  	_ =	shalt  }
0x85: {  	_ =	shalt  }
0x86: {  	_ =	shalt  }
0x87: {  	_ =	shalt  }
.Lfunc_end0:
.L_simem_size_0:
called_computation.2_lowered:
.L_overlay_start_0:
0x88: {  	s2 =	sld [smem:$0x3FD9]  }
0x89: {  	s3 =	sld [smem:$0x3FFE];
	_ =	sdelay $0x1  }
0x8a: {  	s1 =	srdreg.scid  }
0x8b: {  	s0 =	sand.u32 $0x1, s1  }
0x8c: {  	s17 =	sshll.u32 s0, $0xA;
	s2 =	sadd.s32 s3, s2  }
0x8d: {  	s2 =	sadd.s32 s2, s17  }
0x8e: {  	[smem:$0x3FB0] =	sst s2  }
0x8f: {  	_ = 	snop  }
0x90: {  	s18 =	sld [smem:$0x3FD0];
	(tm) =	ssettm $0x1  }
0x91: {  	s19 =	sld [smem:$0x3FFB];
	_ =	sdelay $0x3  }
0x92: {  	_ =	strace s19  }
0x93: {  	s2 =	sld [smem:$0x3FFC];
	_ =	sdelay $0x3  }
0x94: {  	_ =	strace s2  }
0x95: {  	s2 =	sld [smem:$0x3FFD];
	_ =	sdelay $0x3  }
0x96: {  	_ =	strace s2  }
0x97: {  	_ =	strace $0x8FFFFFFF  }
0x98: {  	s20 =	sld [smem:$0x3FDB];
	_ =	sdelay $0x1  }
0x99: {  	s4 =	simm.s32 $_scs_section_size  }
0x9a: {  	s5 =	simm.s32 $_size__tile_overlayer_lowered;
	s6 =	simm.s32 $_tile_overlayer_lowered  }
0x9b: {  	s7 =	simm.s32 $0x1BFF;
	s21 =	sshll.u32 s6, $0x1;
	s4 =	sadd.s32 s4, s20  }
0x9c: {  	s22 =	simm.s32 $0x0;
	s5 =	sshll.u32 s5, $0x1;
	s6 =	sadd.s32 s21, s4  }
0x9d: {  	[timem:s22], [sflag:s7] =	dma.local [hbm:s6], s5  }
0x9e: {  	_ =	swait.ge [sflag:s7], s5  }
0x9f: {  	s5 =	ssub.s32 $0x0, s5;
	[sflag:s7] =	ssyncset.done $0x0  }
0xa0: {  	[sflag:s7] =	ssyncadd.s32 s5;
	_ =	sdelay $0x1  }
0xa1: {  	s23 =	simm.s32 $0x1B8B  }
0xa2: {  	_ =	swait.ge [sflag:s23], $0x1  }
0xa3: {  	[sflag:s23] =	ssyncset.done $0x0  }
0xa4: {  	[sflag:s23] =	ssyncadd.s32 $0xFFFFFFFF  }
0xa5: {  	s5 =	sld [smem:$0x0]  }
0xa6: {  	s6 =	sand.u32 $0xFFFFFFFE, s1  }
0xa7: {  	p0 =	sne.s32 s1, s6  }
0xa8: {  	s6 =	sshll.u32 @p0 s6, $0xE  }
0xa9: {  	s6 =	sadd.s32 @p0 $0x11B8D, s6;
	s7 =	sshll.u32 @p0 s5, $0x11  }
0xaa: {  	s6 =	sor.u32 @p0 s7, s6  }
0xab: {  	[sflag:s6] =	ssyncadd.remote.s32 @p0 $0x1;
	_ =	sdelay $0x1  }
0xac: {  	s6 =	simm.s32 @p0 $0x1B8D  }
0xad: {  	_ =	swait.eq @p0 [sflag:s6], $0x1  }
0xae: {  	[sflag:s6] =	ssyncadd.s32 @p0 $0xFFFFFFFF  }
0xaf: {  	s7 =	sshll.u32 @!p0 s1, $0xE  }
0xb0: {  	s7 =	sor.u32 @!p0 $0x4000, s7;
	s6 =	simm.s32 @!p0 $0x1B8D  }
0xb1: {  	s5 =	sshll.u32 @!p0 s5, $0x11;
	s7 =	sadd.s32 @!p0 $0x11B8D, s7;
	_ =	swait.eq @!p0 [sflag:s6], $0x1  }
0xb2: {  	s5 =	sor.u32 @!p0 s5, s7;
	[sflag:s6] =	ssyncadd.s32 @!p0 $0xFFFFFFFF  }
0xb3: {  	s25 =	simm.s32 $0x1B8E;
	s24 =	sld [smem:$0x3FFE];
	[sflag:s5] =	ssyncadd.remote.s32 @!p0 $0x1  }
0xb4: {  	s26 =	simm.s32 $execute0_lowered;
	[smem:$0x3FD2] =	sst s25  }
0xb5: {  	s6 =	sshll.u32 s26, $0x1;
	_ =	strace $0x8000004C;
	[dreg:$0x1] =	wrdreg $0xFFFFFFFF  }
0xb6: {  	s28 =	simm.s32 $_size_execute0_lowered;
	s4 =	sadd.s32 s4, s6;
	[dreg:$0x0] =	wrdreg $0x0  }
0xb7: {  	s6 =	sshll.u32 s28, $0x1;
	[dreg:$0x2] =	wrdreg s4  }
0xb8: {  	[dreg:$0x3] =	wrdreg s6  }
0xb9: {  	[dreg:$0x4] =	wrdreg $0xC0  }
0xba: {  	_ =	task [dreg:s22], $0x5FFFF  }
0xbb: {  	[dreg:$0x1] =	wrdreg $0xFFFFFFFF  }
0xbc: {  	[dreg:$0x0] =	wrdreg $0x60  }
0xbd: {  	[dreg:$0x2] =	wrdreg s24  }
0xbe: {  	[dreg:$0x3] =	wrdreg s18  }
0xbf: {  	[dreg:$0x4] =	wrdreg $0xD4800  }
0xc0: {  	[dreg:$0x5] =	wrdreg $0xA  }
0xc1: {  	_ =	task.clear_ibuf [dreg:s22], $0x6FFFF;
	_ =	strace $0x9000004C  }
0xc2: {  	s29 =	simm.s32 $0xA;
	_ =	strace $0x8000004E  }
0xc3: {  	_ =	swait.ge [sflag:s29], $0x1  }
0xc4: {  	[sflag:s29] =	ssyncadd.s32 $0xFFFFFFFF  }
0xc5: {  	_ =	strace $0x9000004E  }
0xc6: {  	_ =	sfence  }
0xc7: {  	s30 =	sld [smem:$0x0];
	_ =	sdelay $0x2  }
0xc8: {  	s31 =	sshll.u32 s1, $0xD;
	s1 =	sshrl.u32 s1, $0x2  }
0xc9: {  	s4 =	sand.u32 $0x4000, s31;
	s1 =	sadd.s32 s1, s30  }
0xca: {  	s0 =	sor.u32 s4, s0;
	s1 =	sshll.u32 s1, $0x11  }
0xcb: {  	s0 =	sor.u32 s1, s0  }
0xcc: {  	s0 =	sadd.s32 $0x8F2B, s0  }
0xcd: {  	[sflag:s0] =	ssyncadd.remote.s32 $0x1  }
0xce: {  	_ =	sfence.sel $0xFFFF  }
0xcf: {  	[dreg:$0x0] =	wrdreg $0xFFFFFFFF;
	(pc) =	sbr.abs _section_cstart, $3  }
0xd0: {  	[dreg:$0x1] =	wrdreg $0xFFFFFFFF  }
0xd1: {  	_ =	task.clear_ibuf [dreg:s22], $0x2FFFF;
	_ =	strace $0x9FFFFFFF  }
0xd2: {  	(tm) =	ssettm $0x7FFFFFFF  }
0xd3: {  	_ =	shalt  }
tec
execute0_lowered:
.L_overlay_start_1:
0x0: {  	(tag) =	ssettag $0x1  }
0x1: {  	s4 =	rddreg [dreg:$0x0]  }
0x2: {  	s6 =	rddreg [dreg:$0x1]  }
0x3: {  	s2 =	rddreg [dreg:$0x2]  }
0x4: {  	s0 =	rddreg [dreg:$0x3];
	s1 =	stileid.u32  }
0x5: {  	s5 =	srdreg.scid;
	s3 =	simm.s32 $0x0;
	s16 =	simm.s32 $0x5140  }
0x6: {  	s17 =	simm.s32 $0x64;
	s18 =	simm.s32 $0xA280;
	s19 =	simm.s32 $0xBB80  }
0x7: {  	s20 =	simm.s32 $0x1;
	s21 =	simm.s32 $0x2;
	s22 =	simm.s32 $0x0  }
0x8: {  	s7 =	smul.u32 $0xA28, s1;
	s5 =	sand.u32 $0x1, s5;
	[smem:$0x7FF] =	sst s3  }
0x9: {  	s9 =	smul.u32 $0x9C00, s1;
	s13 =	sadd.s32 $0x92400, s2;
	p0 =	seq.s32 s1, $0xF  }
0xa: {  	s8 =	smul.u32 $0x13880, s5;
	_ =	strace $0x8000004D;
	s5 =	ssub.s32 $0x2, s5  }
0xb: {  	s15 =	sshll.u32 @!p0 s1, $0x6;
	s10 =	sadd.s32 s7, s4;
	s31 =	sshrl.u32 s5, $0x1  }
0xc: {  	s14 =	sadd.s32 s9, s2;
	s11 =	sadd.s32 s8, s4;
	s12 =	ssub.s32 s5, s31  }
0xd: {  	s4 =	sshrl.u32 s9, $0x3;
	s7 =	sadd.s32 $0x83400, s10;
	s8 =	sadd.s32 $0x79000, s10  }
0xe: {  	s14 =	sshrl.u32 @!p0 s14, $0x3;
	s5 =	sadd.s32 s6, s4;
	s6 =	sadd.s32 $0x12480, s6  }
0xf: {  	s9 =	sadd.s32 $0x8D800, s11;
	s10 =	sadd.s32 $0x3C00, s11;
	s11 =	smax.u32 s12, $0x1  }
0x10: {  	s12 =	sshrl.u32 @p0 s13, $0x3;
	s13 =	sor.u32 @!p0 $0x1C03, s15;
	s15 =	simm.s32 $0x3  }
.LBB2_1:
0x11: {  	s23 =	simm.s32 @p0 $0x1FC3  }
0x12: {  	[spmem:s12], [sflag:s23] =	dma.local @p0 [hbm:s6], $0x1400  }
0x13: {  	s23 =	simm.s32 @p0 $0x3  }
0x14: {  	_ =	swait.ge @p0 [sflag:s23], $0x1400  }
0x15: {  	[sflag:s23] =	ssyncset.done @p0 $0x0  }
0x16: {  	[sflag:s23] =	ssyncadd.s32 @p0 $0xFFFFEC00;
	s23 =	simm.s32 @!p0 $0x3  }
0x17: {  	[spmem:s14], [sflag:s13] =	dma.local @!p0 [hbm:s5], $0x1380  }
0x18: {  	_ =	swait.ge @!p0 [sflag:s23], $0x1380  }
0x19: {  	[sflag:s23] =	ssyncset.done @!p0 $0x0  }
0x1a: {  	[sflag:s23] =	ssyncadd.s32 @!p0 $0xFFFFEC80  }
0x1b: {  	[tilespmem:s3], [sflag:$0x3] =	stream.linear.gather [hbm4b:s7+s3], $0x5140, $0x38;
	[tilespmem:$0x170C0] =	vst v63  }
0x1c: {  	_ =	swait.ge [sflag:s15], $0x5140  }
0x1d: {  	[sflag:s15] =	ssyncset.done $0x0  }
0x1e: {  	[sflag:s15] =	ssyncadd.s32 $0xFFFFAEC0  }
0x1f: {  	[tilespmem:s16], [sflag:$0x3] =	stream.linear.gather [hbm4b:s8+s3], $0x5140, $0x38;
	[tilespmem:$0x170C0] =	vst v63  }
0x20: {  	_ =	swait.ge [sflag:s15], $0x5140  }
0x21: {  	[sflag:s15] =	ssyncset.done $0x0  }
0x22: {  	[sflag:s15] =	ssyncadd.s32 $0xFFFFAEC0  }
0x23: {  	s28 =	simm.s32 $0x0;
	[bflag:$0x0] =	sbarrier.arrive $0xFFFF  }
0x24: {  	[tilespmem:s18], [sflag:$0x1] =	stream.indirect.gather [hbm4b:s9+s17], $0x40, s28, s17, $0xb8;
	[tilespmem:$0x170C0] =	vst v63  }
0x25: {  	s29 =	simm.s32 $0x68  }
0x26: {  	[tilespmem:s19], [sflag:$0x2] =	stream.indirect.gather [hbm4b:s9+s17], $0x40, s29, s17, $0xb8;
	[tilespmem:$0x170C0] =	vst v63  }
0x27: {  	_ =	swait.ge [sflag:s20], $0x1900  }
0x28: {  	[sflag:s20] =	ssyncset.done $0x0  }
0x29: {  	s30 =	simm.s32 $0x5140;
	[sflag:s20] =	ssyncadd.s32 $0xFFFFE700  }
0x2a: {  	[spmem:s2] =	stream.indirect.scatter.add.f32 [tilespmem:s18], [sflag:$0x3], $0x40, s30, s17, $0xb8;
	[tilespmem:$0x170C0] =	vst v63  }
0x2b: {  	_ =	swait.ge [sflag:s15], $0x1900  }
0x2c: {  	[sflag:s15] =	ssyncset.done $0x0  }
0x2d: {  	[sflag:s15] =	ssyncadd.s32 $0xFFFFE700  }
0x2e: {  	_ =	swait.ge [sflag:s21], $0x1900  }
0x2f: {  	[sflag:s21] =	ssyncset.done $0x0  }
0x30: {  	s31 =	simm.s32 $0x51A8;
	[sflag:s21] =	ssyncadd.s32 $0xFFFFE700  }
0x31: {  	[spmem:s2] =	stream.indirect.scatter.add.f32 [tilespmem:s19], [sflag:$0x3], $0x40, s31, s17, $0xb8;
	[tilespmem:$0x170C0] =	vst v63  }
0x32: {  	_ =	swait.ge [sflag:s15], $0x1900  }
0x33: {  	s24 =	simm.s32 $0x680;
	s23 =	simm.s32 $0x340;
	[sflag:s15] =	ssyncset.done $0x0  }
.LBB2_2:
0x34: {  	s25 =	sshra.s32 s23, $0x2  }
0x35: {  	[sflag:s15] =	ssyncadd.s32 $0xFFFFE700;
	s23 =	smov.u32 s24;
	s26 =	sadd.s32 $0x340, s24  }
0x36: {  	[tilespmem:s18], [sflag:$0x1] =	stream.indirect.gather [hbm4b:s9+s17], $0x40, s25, s17, $0xb8;
	[tilespmem:$0x170C0] =	vst v63  }
0x37: {  	p1 =	sne.s32 s24, $0x141C0;
	s24 =	sadd.s32 $0x68, s25  }
0x38: {  	[tilespmem:s19], [sflag:$0x2] =	stream.indirect.gather [hbm4b:s9+s17], $0x40, s24, s17, $0xb8;
	[tilespmem:$0x170C0] =	vst v63  }
0x39: {  	_ =	swait.ge [sflag:s20], $0x1900  }
0x3a: {  	[sflag:s20] =	ssyncset.done $0x0  }
0x3b: {  	s24 =	sadd.s32 $0x5140, s25;
	[sflag:s20] =	ssyncadd.s32 $0xFFFFE700  }
0x3c: {  	[spmem:s2] =	stream.indirect.scatter.add.f32 [tilespmem:s18], [sflag:$0x3], $0x40, s24, s17, $0xb8;
	[tilespmem:$0x170C0] =	vst v63  }
0x3d: {  	_ =	swait.ge [sflag:s15], $0x1900  }
0x3e: {  	[sflag:s15] =	ssyncset.done $0x0  }
0x3f: {  	[sflag:s15] =	ssyncadd.s32 $0xFFFFE700  }
0x40: {  	_ =	swait.ge [sflag:s21], $0x1900  }
.Ltmp0:
0x41: {  	[sflag:s21] =	ssyncset.done $0x0;
	(pc) =	sbr.rel @p1 .LBB2_2-.Ltmp0, $4  }
0x42: {  	s24 =	sadd.s32 $0x51A8, s25;
	[sflag:s21] =	ssyncadd.s32 $0xFFFFE700  }
0x43: {  	[spmem:s2] =	stream.indirect.scatter.add.f32 [tilespmem:s19], [sflag:$0x3], $0x40, s24, s17, $0xb8;
	[tilespmem:$0x170C0] =	vst v63  }
0x44: {  	_ =	swait.ge [sflag:s15], $0x1900  }
0x45: {  	s24 =	smov.u32 s26;
	[sflag:s15] =	ssyncset.done $0x0  }
0x46: {  	s23 =	sshra.s32 s23, $0x2;
	[sflag:s15] =	ssyncadd.s32 $0xFFFFE700  }
0x47: {  	[tilespmem:s18], [sflag:$0x1] =	stream.indirect.gather [hbm4b:s9+s17], $0x40, s23, s17, $0xb8;
	[tilespmem:$0x170C0] =	vst v63  }
0x48: {  	s24 =	sadd.s32 $0x68, s23  }
0x49: {  	[tilespmem:s19], [sflag:$0x2] =	stream.indirect.gather [hbm4b:s9+s17], $0x40, s24, s17, $0xb8;
	[tilespmem:$0x170C0] =	vst v63  }
0x4a: {  	_ =	swait.ge [sflag:s20], $0x1900  }
0x4b: {  	[sflag:s20] =	ssyncset.done $0x0  }
0x4c: {  	s31 =	sadd.s32 $0x5140, s23;
	[sflag:s20] =	ssyncadd.s32 $0xFFFFE700  }
0x4d: {  	[spmem:s2] =	stream.indirect.scatter.add.f32 [tilespmem:s18], [sflag:$0x3], $0x40, s31, s17, $0xb8;
	[tilespmem:$0x170C0] =	vst v63  }
0x4e: {  	_ =	swait.ge [sflag:s15], $0x1900  }
0x4f: {  	[sflag:s15] =	ssyncset.done $0x0  }
0x50: {  	[sflag:s15] =	ssyncadd.s32 $0xFFFFE700  }
0x51: {  	_ =	swait.ge [sflag:s21], $0x1900  }
0x52: {  	[sflag:s21] =	ssyncset.done $0x0  }
0x53: {  	s23 =	sadd.s32 $0x51A8, s23;
	[sflag:s21] =	ssyncadd.s32 $0xFFFFE700  }
0x54: {  	[spmem:s2] =	stream.indirect.scatter.add.f32 [tilespmem:s19], [sflag:$0x3], $0x40, s23, s17, $0xb8;
	[tilespmem:$0x170C0] =	vst v63  }
0x55: {  	_ =	swait.ge [sflag:s15], $0x1900  }
0x56: {  	[sflag:s15] =	ssyncset.done $0x0  }
0x57: {  	[sflag:s15] =	ssyncadd.s32 $0xFFFFE700  }
0x58: {  	s24 =	simm.s32 @p0 $0x1FC3;
	s23 =	sadd.s32 @p0 $0x12480, s10;
	[bflag:$0x0] =	sbarrier.arrive $0xFFFF  }
0x59: {  	[hbm:s23], [sflag:s24] =	dma.local @p0 [spmem:s12], $0x1400  }
0x5a: {  	s23 =	simm.s32 @p0 $0x3  }
0x5b: {  	_ =	swait.ge @p0 [sflag:s23], $0x1400  }
0x5c: {  	s22 =	sadd.s32 $0x1, s22;
	[sflag:s23] =	ssyncset.done @p0 $0x0  }
0x5d: {  	p1 =	sne.s32 s22, s11;
	[sflag:s23] =	ssyncadd.s32 @p0 $0xFFFFEC00;
	s23 =	sadd.s32 @!p0 s4, s10  }
0x5e: {  	[hbm:s23], [sflag:s13] =	dma.local @!p0 [spmem:s14], $0x1380  }
.Ltmp1:
0x5f: {  	_ = 	snop;
	(pc) =	sbr.rel @p1 .LBB2_1-.Ltmp1, $4  }
0x60: {  	s23 =	simm.s32 @!p0 $0x3  }
0x61: {  	_ =	swait.ge @!p0 [sflag:s23], $0x1380  }
0x62: {  	[sflag:s23] =	ssyncset.done @!p0 $0x0  }
0x63: {  	[sflag:s23] =	ssyncadd.s32 @!p0 $0xFFFFEC80  }
0x64: {  	_ =	sfence.sel $0x180000  }
0x65: {  	[bflag:$0x0] =	sbarrier.arrive $0xFFFF  }
0x66: {  	p0 =	sne.s32 s1, $0x0;
	_ =	strace $0x9000004D  }
0x67: {  	s0 =	sadd.s32 @!p0 $0x100000, s0;
	[bflag:$0x2] =	sbarrier.arrive $0xFFFF  }
0x68: {  	[sflag:s0] =	ssyncadd.tile.s32 @!p0 $0x1;
	_ =	shalt  }
.Lfunc_end2:
_tile_overlayer_lowered:
.L_overlay_start_2:
0x69: {  	(tag) =	ssettag $0x2  }
0x6a: {  	s0 =	rddreg [dreg:$0x0];
	s2 =	stileid.u32  }
0x6b: {  	s1 =	rddreg [dreg:$0x1];
	p0 =	sne.s32 s2, $0x0  }
0x6c: {  	s3 =	rddreg [dreg:$0x2];
	[bflag:$0x3] =	sbarrier.arrive $0xFFFF;
	s2 =	simm.s32 @!p0 $0x1C03  }
0x6d: {  	[timem:s3], [sflag:s2] =	dma.local @!p0 [hbm:s0], s1  }
0x6e: {  	s0 =	simm.s32 @!p0 $0x3  }
0x6f: {  	_ =	swait.ge @!p0 [sflag:s0], s1  }
0x70: {  	s1 =	ssub.s32 @!p0 $0x0, s1;
	[sflag:s0] =	ssyncset.done @!p0 $0x0  }
0x71: {  	[sflag:s0] =	ssyncadd.s32 @!p0 s1  }
0x72: {  	[bflag:$0x3] =	sbarrier.arrive $0xFFFF  }
0x73: {  	_ =	shalt  }

// kernel: kernel.15.cloned.1.call-start
scs
__scs_entry_jumppad:
0x0: {  	(pc) =	sbr.rel $0x88, $3  }
0x1: {  	(tag) =	ssettag $0x0;
	lr =	simm.s32 $0x1  }
0x2: {  	[smem:$0x3F89] =	sst lr;
	_ =	strace $0xD0000000  }
0x3: {  	_ = 	snop  }
0x4: {  	_ = 	snop  }
0x5: {  	_ = 	snop  }
0x6: {  	_ = 	snop  }
0x7: {  	_ = 	snop  }
__scs_overlays_trampoline_lowered:
0x8: {  	[smem:$0x3F98] =	sst s0  }
0x9: {  	[smem:$0x3F99] =	sst s1  }
0xa: {  	[smem:$0x3F9A] =	sst s2  }
0xb: {  	[smem:$0x3F9B] =	sst s3  }
0xc: {  	[smem:$0x3F9C] =	sst s4  }
0xd: {  	[smem:$0x3F9D] =	sst s5  }
0xe: {  	[smem:$0x3F9E] =	sst s6  }
0xf: {  	[smem:$0x3F9F] =	sst s7  }
0x10: {  	[smem:$0x3FA0] =	sst s8  }
0x11: {  	[smem:$0x3FA1] =	sst s9;
	s0 =	simm.s32 @!p0 $0x0  }
0x12: {  	s1 =	sld [smem:$0x3F87];
	s0 =	simm.s32 @p0 $0x1  }
0x13: {  	[smem:$0x3FA2] =	sst s0;
	s0 =	simm.s32 @!p1 $0x0  }
0x14: {  	s2 =	sld [smem:$0x3F86];
	s0 =	simm.s32 @p1 $0x1  }
0x15: {  	[smem:$0x3FA3] =	sst s0;
	s0 =	simm.s32 @!p2 $0x0  }
0x16: {  	s3 =	sld [smem:$0x3FDB];
	s0 =	simm.s32 @p2 $0x1  }
0x17: {  	s4 =	simm.s32 $0x1BF5;
	[smem:$0x3FA5] =	sst s0  }
0x18: {  	s0 =	sld [smem:$0x3F88];
	_ =	swait.ge [sflag:s4], $0x0  }
0x19: {  	s7 =	sld [smem:$0x3F89]  }
0x1a: {  	s8 =	sadd.s32 $0xFFFFE003, lr  }
0x1b: {  	s9 =	sadd.s32 $0xFFFFFEF7, lr;
	s5 =	simm.s32 $0xFFFFFFFF;
	p2 =	slt.u32 s8, $0xFFFFF086  }
0x1c: {  	p1 =	slt.u32 s9, $0xF7A;
	s5 =	simm.s32 @!p2 $0x0  }
0x1d: {  	s5 =	simm.s32 @p1 $0x1;
	p0 =	seq.s32 s7, s2  }
0x1e: {  	s7 =	smul.u32 @!p0 $0xF7A, s2;
	p2 =	seq.s32 @!p0 s5, $0x0  }
0x1f: {  	s9 =	smul.u32 $0xF7A, s1;
	s8 =	simm.s32 @!p0 $0x1BF5;
	p2 =	por !p2, p0  }
0x20: {  	[sflag:s8] =	ssyncset.s32 @!p0 $0xFFFFF086;
	s6 =	sadd.s32 @!p0 s3, s7;
	s7 =	simm.s32 @!p0 $0x108  }
0x21: {  	s3 =	sadd.s32 s3, s9;
	s6 =	sadd.s32 @!p0 $0x88, s6;
	s7 =	simm.s32 @p2 $0x1082  }
0x22: {  	[simem:s7], [sflag:s8] =	dma.local @!p0 [hbm:s6], $0xF7A  }
0x23: {  	s9 =	sor.u32 $0xD0000000, s2;
	s6 =	simm.s32 $0x108;
	_ =	swait.ge @!p0 [sflag:s8], $0x0  }
0x24: {  	s3 =	sadd.s32 $0x88, s3;
	s6 =	simm.s32 @!p1 $0x1082;
	[sflag:s4] =	ssyncset.s32 $0xFFFFF086  }
0x25: {  	[simem:s6], [sflag:s4] =	dma.local [hbm:s3], $0xF7A  }
0x26: {  	[smem:$0x3F89] =	sst s1;
	(tag) =	ssettag s2;
	_ =	strace s9  }
0x27: {  	s1 =	sld [smem:$0x3F99]  }
0x28: {  	s2 =	sld [smem:$0x3F9A]  }
0x29: {  	s4 =	sld [smem:$0x3F9C]  }
0x2a: {  	p0 =	seq.s32 s5, $0x0;
	s5 =	sld [smem:$0x3F9D]  }
0x2b: {  	s6 =	sld [smem:$0x3F9E]  }
0x2c: {  	s7 =	sld [smem:$0x3F9F]  }
0x2d: {  	s3 =	simm.s32 $0x108;
	s8 =	sld [smem:$0x3FA0]  }
0x2e: {  	s3 =	simm.s32 @!p0 $0x1082;
	s9 =	sld [smem:$0x3FA1]  }
0x2f: {  	lr =	sadd.s32 s0, s3;
	s0 =	sld [smem:$0x3F98]  }
0x30: {  	s3 =	sld [smem:$0x3F9B]  }
0x31: {  	[smem:$0x3FA4] =	sst s10  }
0x32: {  	s10 =	sld [smem:$0x3FA2];
	_ =	sdelay $0x3  }
0x33: {  	p0 =	seq.s32 s10, $0x1;
	s10 =	sld [smem:$0x3FA4];
	_ =	sdelay $0x3  }
0x34: {  	[smem:$0x3FA4] =	sst s10  }
0x35: {  	s10 =	sld [smem:$0x3FA3];
	_ =	sdelay $0x3  }
0x36: {  	p1 =	seq.s32 s10, $0x1;
	s10 =	sld [smem:$0x3FA4];
	_ =	sdelay $0x3  }
0x37: {  	[smem:$0x3FA4] =	sst s10  }
0x38: {  	s10 =	sld [smem:$0x3FA5]  }
0x39: {  	_ = 	snop;
	(pc) =	sbr.ind lr, $3  }
0x3a: {  	_ = 	snop  }
0x3b: {  	_ = 	snop  }
0x3c: {  	p2 =	seq.s32 s10, $0x1;
	s10 =	sld [smem:$0x3FA4]  }
0x3d: {  	_ =	shalt  }
0x3e: {  	_ =	shalt  }
0x3f: {  	_ =	shalt  }
0x40: {  	_ =	shalt  }
0x41: {  	_ =	shalt  }
0x42: {  	_ =	shalt  }
0x43: {  	_ =	shalt  }
0x44: {  	_ =	shalt  }
0x45: {  	_ =	shalt  }
0x46: {  	_ =	shalt  }
0x47: {  	_ =	shalt  }
0x48: {  	_ =	shalt  }
0x49: {  	_ =	shalt  }
0x4a: {  	_ =	shalt  }
0x4b: {  	_ =	shalt  }
0x4c: {  	_ =	shalt  }
0x4d: {  	_ =	shalt  }
0x4e: {  	_ =	shalt  }
0x4f: {  	_ =	shalt  }
0x50: {  	_ =	shalt  }
0x51: {  	_ =	shalt  }
0x52: {  	_ =	shalt  }
0x53: {  	_ =	shalt  }
0x54: {  	_ =	shalt  }
0x55: {  	_ =	shalt  }
0x56: {  	_ =	shalt  }
0x57: {  	_ =	shalt  }
0x58: {  	_ =	shalt  }
0x59: {  	_ =	shalt  }
0x5a: {  	_ =	shalt  }
0x5b: {  	_ =	shalt  }
0x5c: {  	_ =	shalt  }
0x5d: {  	_ =	shalt  }
0x5e: {  	_ =	shalt  }
0x5f: {  	_ =	shalt  }
0x60: {  	_ =	shalt  }
0x61: {  	_ =	shalt  }
0x62: {  	_ =	shalt  }
0x63: {  	_ =	shalt  }
0x64: {  	_ =	shalt  }
0x65: {  	_ =	shalt  }
0x66: {  	_ =	shalt  }
0x67: {  	_ =	shalt  }
0x68: {  	_ =	shalt  }
0x69: {  	_ =	shalt  }
0x6a: {  	_ =	shalt  }
0x6b: {  	_ =	shalt  }
0x6c: {  	_ =	shalt  }
0x6d: {  	_ =	shalt  }
0x6e: {  	_ =	shalt  }
0x6f: {  	_ =	shalt  }
0x70: {  	_ =	shalt  }
0x71: {  	_ =	shalt  }
0x72: {  	_ =	shalt  }
0x73: {  	_ =	shalt  }
0x74: {  	_ =	shalt  }
0x75: {  	_ =	shalt  }
0x76: {  	_ =	shalt  }
0x77: {  	_ =	shalt  }
0x78: {  	_ =	shalt  }
0x79: {  	_ =	shalt  }
0x7a: {  	_ =	shalt  }
0x7b: {  	_ =	shalt  }
0x7c: {  	_ =	shalt  }
0x7d: {  	_ =	shalt  }
0x7e: {  	_ =	shalt  }
0x7f: {  	_ =	shalt  }
0x80: {  	_ =	shalt  }
0x81: {  	_ =	shalt  }
0x82: {  	_ =	shalt  }
0x83: {  	_ =	shalt  }
0x84: {  	_ =	shalt  }
0x85: {  	_ =	shalt  }
0x86: {  	_ =	shalt  }
0x87: {  	_ =	shalt  }
.Lfunc_end0:
.L_simem_size_0:
called_computation.3_lowered:
.L_overlay_start_0:
0x88: {  	s2 =	sld [smem:$0x3FD9]  }
0x89: {  	s3 =	sld [smem:$0x3FFE];
	_ =	sdelay $0x1  }
0x8a: {  	s1 =	srdreg.scid  }
0x8b: {  	s0 =	sand.u32 $0x1, s1  }
0x8c: {  	s16 =	sshll.u32 s0, $0xA;
	s2 =	sadd.s32 s3, s2  }
0x8d: {  	s2 =	sadd.s32 s2, s16  }
0x8e: {  	[smem:$0x3FB0] =	sst s2  }
0x8f: {  	_ = 	snop  }
0x90: {  	(tm) =	ssettm $0x1  }
0x91: {  	s17 =	sld [smem:$0x3FFB];
	_ =	sdelay $0x3  }
0x92: {  	_ =	strace s17  }
0x93: {  	s2 =	sld [smem:$0x3FFC];
	_ =	sdelay $0x3  }
0x94: {  	_ =	strace s2  }
0x95: {  	s2 =	sld [smem:$0x3FFD];
	_ =	sdelay $0x3  }
0x96: {  	_ =	strace s2  }
0x97: {  	_ =	strace $0x8FFFFFFF  }
0x98: {  	s18 =	sld [smem:$0x3FDB];
	_ =	sdelay $0x1  }
0x99: {  	s19 =	simm.s32 $_scs_section_size  }
0x9a: {  	s4 =	simm.s32 $_size__tile_overlayer_lowered;
	s5 =	simm.s32 $_tile_overlayer_lowered  }
0x9b: {  	s22 =	simm.s32 $0x1BFF;
	s21 =	sshll.u32 s5, $0x1;
	s2 =	sadd.s32 s19, s18  }
0x9c: {  	s6 =	simm.s32 $0x0;
	s20 =	sshll.u32 s4, $0x1;
	s4 =	sadd.s32 s21, s2  }
0x9d: {  	[timem:s6], [sflag:s22] =	dma.local [hbm:s4], s20  }
0x9e: {  	_ =	swait.ge [sflag:s22], s20  }
0x9f: {  	s3 =	ssub.s32 $0x0, s20;
	[sflag:s22] =	ssyncset.done $0x0  }
0xa0: {  	[sflag:s22] =	ssyncadd.s32 s3;
	_ =	sdelay $0x1  }
0xa1: {  	s23 =	simm.s32 $0x1B8B  }
0xa2: {  	_ =	swait.ge [sflag:s23], $0x1  }
0xa3: {  	[sflag:s23] =	ssyncset.done $0x0  }
0xa4: {  	s25 =	simm.s32 $0x1B8E;
	s24 =	sld [smem:$0x3FFE];
	[sflag:s23] =	ssyncadd.s32 $0xFFFFFFFF  }
0xa5: {  	s26 =	simm.s32 $execute0_lowered;
	[smem:$0x3FD2] =	sst s25  }
0xa6: {  	s4 =	sshll.u32 s26, $0x1;
	_ =	strace $0x8000004F;
	[dreg:$0x1] =	wrdreg $0xFFFFFFFF  }
0xa7: {  	s28 =	simm.s32 $_size_execute0_lowered;
	s2 =	sadd.s32 s2, s4;
	[dreg:$0x0] =	wrdreg $0x0  }
0xa8: {  	s4 =	sshll.u32 s28, $0x1;
	[dreg:$0x2] =	wrdreg s2  }
0xa9: {  	[dreg:$0x3] =	wrdreg s4  }
0xaa: {  	[dreg:$0x4] =	wrdreg $0xC0  }
0xab: {  	_ =	task [dreg:s6], $0x5FFFF  }
0xac: {  	[dreg:$0x1] =	wrdreg $0xFFFFFFFF  }
0xad: {  	[dreg:$0x0] =	wrdreg $0x60  }
0xae: {  	[dreg:$0x2] =	wrdreg s24  }
0xaf: {  	[dreg:$0x3] =	wrdreg $0x9  }
0xb0: {  	_ =	task.clear_ibuf [dreg:s6], $0x4FFFF;
	_ =	strace $0x9000004F  }
0xb1: {  	s29 =	simm.s32 $0x9;
	_ =	strace $0x80000051  }
0xb2: {  	_ =	swait.ge [sflag:s29], $0x1  }
0xb3: {  	[sflag:s29] =	ssyncadd.s32 $0xFFFFFFFF  }
0xb4: {  	_ =	strace $0x90000051  }
0xb5: {  	_ =	sfence  }
0xb6: {  	s30 =	sld [smem:$0x0];
	_ =	sdelay $0x2  }
0xb7: {  	s31 =	sshll.u32 s1, $0xD;
	s1 =	sshrl.u32 s1, $0x2  }
0xb8: {  	s3 =	sand.u32 $0x4000, s31;
	s1 =	sadd.s32 s1, s30  }
0xb9: {  	s0 =	sor.u32 s3, s0;
	s1 =	sshll.u32 s1, $0x11  }
0xba: {  	s0 =	sor.u32 s1, s0  }
0xbb: {  	s0 =	sadd.s32 $0x8F2B, s0  }
0xbc: {  	[sflag:s0] =	ssyncadd.remote.s32 $0x1  }
0xbd: {  	_ =	sfence.sel $0xFFFF  }
0xbe: {  	[dreg:$0x0] =	wrdreg $0xFFFFFFFF;
	(pc) =	sbr.abs _section_cstart, $3  }
0xbf: {  	[dreg:$0x1] =	wrdreg $0xFFFFFFFF  }
0xc0: {  	_ =	task.clear_ibuf [dreg:s6], $0x2FFFF;
	_ =	strace $0x9FFFFFFF  }
0xc1: {  	(tm) =	ssettm $0x7FFFFFFF  }
tec
execute0_lowered:
.L_overlay_start_1:
0x0: {  	(tag) =	ssettag $0x1  }
0x1: {  	s5 =	rddreg [dreg:$0x0]  }
0x2: {  	s0 =	rddreg [dreg:$0x1];
	s1 =	simm.s32 $0x0  }
0x3: {  	s2 =	srdreg.scid;
	s10 =	simm.s32 $0x3;
	s11 =	simm.s32 $0x1000  }
0x4: {  	s12 =	simm.s32 $0x80;
	s13 =	simm.s32 $0x2000;
	s14 =	simm.s32 $0x6000  }
0x5: {  	s15 =	simm.s32 $0x1;
	s16 =	simm.s32 $0x2;
	s17 =	simm.s32 $0x0  }
0x6: {  	[smem:$0x7FF] =	sst s1;
	s4 =	sand.u32 $0x1, s2;
	s2 =	stileid.u32  }
0x7: {  	s3 =	sadd.s32 $0x3C00, s5;
	s6 =	sshll.u32 s4, $0x4;
	s7 =	ssub.s32 $0x2, s4  }
0x8: {  	_ =	strace $0x80000050;
	s6 =	sor.u32 s2, s6;
	s9 =	sshrl.u32 s7, $0x1  }
0x9: {  	s4 =	sadd.s32 $0x33000, s5;
	s8 =	sshll.u32 s6, $0x9;
	s9 =	ssub.s32 s7, s9  }
0xa: {  	s6 =	smul.u32 $0xC80, s6;
	s8 =	sadd.s32 s8, s5;
	s5 =	sadd.s32 $0x5A200, s5  }
0xb: {  	s9 =	smax.u32 s9, $0x1;
	s7 =	sadd.s32 $0x2B000, s8;
	s8 =	sadd.s32 $0x2F000, s8  }
.LBB2_1:
0xc: {  	[tilespmem:s1], [sflag:$0x3] =	stream.linear.gather [hbm4b:s7+s1], $0xC80, $0x38;
	[tilespmem:$0xA000] =	vst v63  }
0xd: {  	_ =	swait.ge [sflag:s10], $0xC80  }
0xe: {  	[sflag:s10] =	ssyncset.done $0x0  }
0xf: {  	[sflag:s10] =	ssyncadd.s32 $0xFFFFF380  }
0x10: {  	[tilespmem:s11], [sflag:$0x3] =	stream.linear.gather [hbm4b:s8+s1], $0xC80, $0x38;
	[tilespmem:$0xA000] =	vst v63  }
0x11: {  	_ =	swait.ge [sflag:s10], $0xC80  }
0x12: {  	[sflag:s10] =	ssyncset.done $0x0  }
0x13: {  	s18 =	simm.s32 $0x0;
	[sflag:s10] =	ssyncadd.s32 $0xFFFFF380  }
.LBB2_2:
0x14: {  	s19 =	sshll.u32 s18, $0x7  }
0x15: {  	[tilespmem:s13], [sflag:$0x1] =	stream.indirect.gather [hbm4b:s3+s12], $0x80, s19, s12, $0xb8;
	[tilespmem:$0xA000] =	vst v63  }
0x16: {  	s20 =	sadd.s32 $0x1000, s19  }
0x17: {  	[tilespmem:s14], [sflag:$0x2] =	stream.indirect.gather [hbm4b:s4+s12], $0x80, s20, s12, $0xb8;
	[tilespmem:$0xA000] =	vst v63  }
0x18: {  	_ =	swait.ge [sflag:s15], $0x4000  }
0x19: {  	[sflag:s15] =	ssyncset.done $0x0  }
0x1a: {  	[sflag:s15] =	ssyncadd.s32 $0xFFFFC000  }
0x1b: {  	_ =	swait.ge [sflag:s16], $0x4000  }
0x1c: {  	[sflag:s16] =	ssyncset.done $0x0  }
0x1d: {  	s20 =	simm.s32 $0x0;
	[sflag:s16] =	ssyncadd.s32 $0xFFFFC000  }
0x1e: {  	v7 =	vld [tilespmem:s20+$0x6000]  }
0x1f: {  	v11 =	vld [tilespmem:s20+$0x6010]  }
0x20: {  	v5 =	vld [tilespmem:s20+$0x6020]  }
0x21: {  	v4 =	vld [tilespmem:s20+$0x6030]  }
0x22: {  	v3 =	vld [tilespmem:s20+$0x6040]  }
0x23: {  	v2 =	vld [tilespmem:s20+$0x6050]  }
0x24: {  	v1 =	vld [tilespmem:s20+$0x6060]  }
0x25: {  	v0 =	vld [tilespmem:s20+$0x6070]  }
0x26: {  	v12 =	vld [tilespmem:s20+$0x2000]  }
0x27: {  	v13 =	vld [tilespmem:s20+$0x2010]  }
0x28: {  	v10 =	vld [tilespmem:s20+$0x2020]  }
0x29: {  	v9 =	vld [tilespmem:s20+$0x2030]  }
0x2a: {  	v8 =	vld [tilespmem:s20+$0x2040]  }
0x2b: {  	v6 =	vld [tilespmem:s20+$0x2050];
	v12 =	vadd.f32 v7, v12  }
0x2c: {  	s21 =	simm.s32 $0x200;
	v11 =	vadd.f32 v11, v13;
	v7 =	vld [tilespmem:s20+$0x2060]  }
.LBB2_3:
0x2d: {  	s22 =	sshra.s32 s21, $0x2;
	p0 =	sne.s32 s21, $0xFE00;
	[tilespmem:s20+$0x2000] =	vst v12;
	v5 =	vadd.f32 v5, v10;
	v10 =	vld [tilespmem:s20+$0x2070]  }
0x2e: {  	v12 =	vld [tilespmem:s22+$0x6000];
	[tilespmem:s20+$0x2010] =	vst v11;
	v4 =	vadd.f32 v4, v9  }
0x2f: {  	v11 =	vld [tilespmem:s22+$0x6010];
	[tilespmem:s20+$0x2020] =	vst v5;
	v3 =	vadd.f32 v3, v8  }
0x30: {  	v5 =	vld [tilespmem:s22+$0x6020];
	[tilespmem:s20+$0x2030] =	vst v4;
	v2 =	vadd.f32 v2, v6  }
0x31: {  	v4 =	vld [tilespmem:s22+$0x6030];
	[tilespmem:s20+$0x2040] =	vst v3;
	v1 =	vadd.f32 v1, v7  }
0x32: {  	v3 =	vld [tilespmem:s22+$0x6040];
	[tilespmem:s20+$0x2050] =	vst v2;
	v0 =	vadd.f32 v0, v10  }
0x33: {  	v2 =	vld [tilespmem:s22+$0x6050];
	[tilespmem:s20+$0x2060] =	vst v1  }
0x34: {  	v1 =	vld [tilespmem:s22+$0x6060];
	[tilespmem:s20+$0x2070] =	vst v0;
	s20 =	smov.u32 s22  }
0x35: {  	v0 =	vld [tilespmem:s20+$0x6070]  }
0x36: {  	v6 =	vld [tilespmem:s20+$0x2000]  }
0x37: {  	v7 =	vld [tilespmem:s20+$0x2010]  }
.Ltmp0:
0x38: {  	v10 =	vld [tilespmem:s20+$0x2020];
	(pc) =	sbr.rel @p0 .LBB2_3-.Ltmp0, $4  }
0x39: {  	v9 =	vld [tilespmem:s20+$0x2030]  }
0x3a: {  	v8 =	vld [tilespmem:s20+$0x2040]  }
0x3b: {  	v12 =	vadd.f32 v12, v6;
	v6 =	vld [tilespmem:s20+$0x2050]  }
0x3c: {  	s21 =	sadd.s32 $0x200, s21;
	v11 =	vadd.f32 v11, v7;
	v7 =	vld [tilespmem:s20+$0x2060]  }
0x3d: {  	[tilespmem:s20+$0x2000] =	vst v12;
	v5 =	vadd.f32 v5, v10;
	v63 =	vld [tilespmem:s20+$0x2070]  }
0x3e: {  	[tilespmem:s20+$0x2010] =	vst v11;
	v4 =	vadd.f32 v4, v9  }
0x3f: {  	[tilespmem:s20+$0x2020] =	vst v5;
	v3 =	vadd.f32 v3, v8  }
0x40: {  	[tilespmem:s20+$0x2030] =	vst v4;
	v2 =	vadd.f32 v2, v6  }
0x41: {  	[tilespmem:s20+$0x2040] =	vst v3;
	v1 =	vadd.f32 v1, v7  }
0x42: {  	s19 =	sadd.s32 s6, s19;
	s18 =	sadd.s32 $0x1, s18;
	[tilespmem:s20+$0x2050] =	vst v2;
	v0 =	vadd.f32 v0, v63  }
0x43: {  	s19 =	sshll.u32 s19, $0x4;
	p0 =	sne.s32 s18, $0x19;
	[tilespmem:s20+$0x2060] =	vst v1  }
.Ltmp1:
0x44: {  	s19 =	sadd.s32 s5, s19;
	[tilespmem:s20+$0x2070] =	vst v0;
	(pc) =	sbr.rel @p0 .LBB2_2-.Ltmp1, $4  }
0x45: {  	[hbm4b:s19+s1] =	stream.linear.scatter [tilespmem:s13], [sflag:$0x3], $0x4000, $0x38;
	[tilespmem:$0xA000] =	vst v63  }
0x46: {  	_ =	swait.ge [sflag:s10], $0x4000  }
0x47: {  	[sflag:s10] =	ssyncset.done $0x0  }
0x48: {  	[sflag:s10] =	ssyncadd.s32 $0xFFFFC000  }
0x49: {  	s17 =	sadd.s32 $0x1, s17  }
0x4a: {  	p0 =	sne.s32 s17, s9  }
.Ltmp2:
0x4b: {  	_ = 	snop;
	(pc) =	sbr.rel @p0 .LBB2_1-.Ltmp2, $1  }
0x4c: {  	_ =	sdelay $0x3  }
0x4d: {  	_ =	sfence.sel $0x180000  }
0x4e: {  	[bflag:$0x0] =	sbarrier.arrive $0xFFFF  }
0x4f: {  	p0 =	sne.s32 s2, $0x0;
	_ =	strace $0x90000050  }
0x50: {  	s0 =	sadd.s32 @!p0 $0x100000, s0;
	[bflag:$0x2] =	sbarrier.arrive $0xFFFF  }
0x51: {  	[sflag:s0] =	ssyncadd.tile.s32 @!p0 $0x1;
	_ =	shalt  }
.Lfunc_end2:
_tile_overlayer_lowered:
.L_overlay_start_2:
0x52: {  	(tag) =	ssettag $0x2  }
0x53: {  	s0 =	rddreg [dreg:$0x0];
	s2 =	stileid.u32  }
0x54: {  	s1 =	rddreg [dreg:$0x1];
	p0 =	sne.s32 s2, $0x0  }
0x55: {  	s3 =	rddreg [dreg:$0x2];
	[bflag:$0x3] =	sbarrier.arrive $0xFFFF;
	s2 =	simm.s32 @!p0 $0x1C03  }
0x56: {  	[timem:s3], [sflag:s2] =	dma.local @!p0 [hbm:s0], s1  }
0x57: {  	s0 =	simm.s32 @!p0 $0x3  }
0x58: {  	_ =	swait.ge @!p0 [sflag:s0], s1  }
0x59: {  	s1 =	ssub.s32 @!p0 $0x0, s1;
	[sflag:s0] =	ssyncset.done @!p0 $0x0  }
0x5a: {  	[sflag:s0] =	ssyncadd.s32 @!p0 s1  }
0x5b: {  	[bflag:$0x3] =	sbarrier.arrive $0xFFFF  }
0x5c: {  	_ =	shalt  }

// kernel: kernel.9.cloned.1.call-start
scs
__scs_entry_jumppad:
0x0: {  	(pc) =	sbr.rel $0x88, $3  }
0x1: {  	(tag) =	ssettag $0x0;
	lr =	simm.s32 $0x1  }
0x2: {  	[smem:$0x3F89] =	sst lr;
	_ =	strace $0xD0000000  }
0x3: {  	_ = 	snop  }
0x4: {  	_ = 	snop  }
0x5: {  	_ = 	snop  }
0x6: {  	_ = 	snop  }
0x7: {  	_ = 	snop  }
__scs_overlays_trampoline_lowered:
0x8: {  	[smem:$0x3F98] =	sst s0  }
0x9: {  	[smem:$0x3F99] =	sst s1  }
0xa: {  	[smem:$0x3F9A] =	sst s2  }
0xb: {  	[smem:$0x3F9B] =	sst s3  }
0xc: {  	[smem:$0x3F9C] =	sst s4  }
0xd: {  	[smem:$0x3F9D] =	sst s5  }
0xe: {  	[smem:$0x3F9E] =	sst s6  }
0xf: {  	[smem:$0x3F9F] =	sst s7  }
0x10: {  	[smem:$0x3FA0] =	sst s8  }
0x11: {  	[smem:$0x3FA1] =	sst s9;
	s0 =	simm.s32 @!p0 $0x0  }
0x12: {  	s1 =	sld [smem:$0x3F87];
	s0 =	simm.s32 @p0 $0x1  }
0x13: {  	[smem:$0x3FA2] =	sst s0;
	s0 =	simm.s32 @!p1 $0x0  }
0x14: {  	s2 =	sld [smem:$0x3F86];
	s0 =	simm.s32 @p1 $0x1  }
0x15: {  	[smem:$0x3FA3] =	sst s0;
	s0 =	simm.s32 @!p2 $0x0  }
0x16: {  	s3 =	sld [smem:$0x3FDB];
	s0 =	simm.s32 @p2 $0x1  }
0x17: {  	s4 =	simm.s32 $0x1BF5;
	[smem:$0x3FA5] =	sst s0  }
0x18: {  	s0 =	sld [smem:$0x3F88];
	_ =	swait.ge [sflag:s4], $0x0  }
0x19: {  	s7 =	sld [smem:$0x3F89]  }
0x1a: {  	s8 =	sadd.s32 $0xFFFFE003, lr  }
0x1b: {  	s9 =	sadd.s32 $0xFFFFFEF7, lr;
	s5 =	simm.s32 $0xFFFFFFFF;
	p2 =	slt.u32 s8, $0xFFFFF086  }
0x1c: {  	p1 =	slt.u32 s9, $0xF7A;
	s5 =	simm.s32 @!p2 $0x0  }
0x1d: {  	s5 =	simm.s32 @p1 $0x1;
	p0 =	seq.s32 s7, s2  }
0x1e: {  	s7 =	smul.u32 @!p0 $0xF7A, s2;
	p2 =	seq.s32 @!p0 s5, $0x0  }
0x1f: {  	s9 =	smul.u32 $0xF7A, s1;
	s8 =	simm.s32 @!p0 $0x1BF5;
	p2 =	por !p2, p0  }
0x20: {  	[sflag:s8] =	ssyncset.s32 @!p0 $0xFFFFF086;
	s6 =	sadd.s32 @!p0 s3, s7;
	s7 =	simm.s32 @!p0 $0x108  }
0x21: {  	s3 =	sadd.s32 s3, s9;
	s6 =	sadd.s32 @!p0 $0x88, s6;
	s7 =	simm.s32 @p2 $0x1082  }
0x22: {  	[simem:s7], [sflag:s8] =	dma.local @!p0 [hbm:s6], $0xF7A  }
0x23: {  	s9 =	sor.u32 $0xD0000000, s2;
	s6 =	simm.s32 $0x108;
	_ =	swait.ge @!p0 [sflag:s8], $0x0  }
0x24: {  	s3 =	sadd.s32 $0x88, s3;
	s6 =	simm.s32 @!p1 $0x1082;
	[sflag:s4] =	ssyncset.s32 $0xFFFFF086  }
0x25: {  	[simem:s6], [sflag:s4] =	dma.local [hbm:s3], $0xF7A  }
0x26: {  	[smem:$0x3F89] =	sst s1;
	(tag) =	ssettag s2;
	_ =	strace s9  }
0x27: {  	s1 =	sld [smem:$0x3F99]  }
0x28: {  	s2 =	sld [smem:$0x3F9A]  }
0x29: {  	s4 =	sld [smem:$0x3F9C]  }
0x2a: {  	p0 =	seq.s32 s5, $0x0;
	s5 =	sld [smem:$0x3F9D]  }
0x2b: {  	s6 =	sld [smem:$0x3F9E]  }
0x2c: {  	s7 =	sld [smem:$0x3F9F]  }
0x2d: {  	s3 =	simm.s32 $0x108;
	s8 =	sld [smem:$0x3FA0]  }
0x2e: {  	s3 =	simm.s32 @!p0 $0x1082;
	s9 =	sld [smem:$0x3FA1]  }
0x2f: {  	lr =	sadd.s32 s0, s3;
	s0 =	sld [smem:$0x3F98]  }
0x30: {  	s3 =	sld [smem:$0x3F9B]  }
0x31: {  	[smem:$0x3FA4] =	sst s10  }
0x32: {  	s10 =	sld [smem:$0x3FA2];
	_ =	sdelay $0x3  }
0x33: {  	p0 =	seq.s32 s10, $0x1;
	s10 =	sld [smem:$0x3FA4];
	_ =	sdelay $0x3  }
0x34: {  	[smem:$0x3FA4] =	sst s10  }
0x35: {  	s10 =	sld [smem:$0x3FA3];
	_ =	sdelay $0x3  }
0x36: {  	p1 =	seq.s32 s10, $0x1;
	s10 =	sld [smem:$0x3FA4];
	_ =	sdelay $0x3  }
0x37: {  	[smem:$0x3FA4] =	sst s10  }
0x38: {  	s10 =	sld [smem:$0x3FA5]  }
0x39: {  	_ = 	snop;
	(pc) =	sbr.ind lr, $3  }
0x3a: {  	_ = 	snop  }
0x3b: {  	_ = 	snop  }
0x3c: {  	p2 =	seq.s32 s10, $0x1;
	s10 =	sld [smem:$0x3FA4]  }
0x3d: {  	_ =	shalt  }
0x3e: {  	_ =	shalt  }
0x3f: {  	_ =	shalt  }
0x40: {  	_ =	shalt  }
0x41: {  	_ =	shalt  }
0x42: {  	_ =	shalt  }
0x43: {  	_ =	shalt  }
0x44: {  	_ =	shalt  }
0x45: {  	_ =	shalt  }
0x46: {  	_ =	shalt  }
0x47: {  	_ =	shalt  }
0x48: {  	_ =	shalt  }
0x49: {  	_ =	shalt  }
0x4a: {  	_ =	shalt  }
0x4b: {  	_ =	shalt  }
0x4c: {  	_ =	shalt  }
0x4d: {  	_ =	shalt  }
0x4e: {  	_ =	shalt  }
0x4f: {  	_ =	shalt  }
0x50: {  	_ =	shalt  }
0x51: {  	_ =	shalt  }
0x52: {  	_ =	shalt  }
0x53: {  	_ =	shalt  }
0x54: {  	_ =	shalt  }
0x55: {  	_ =	shalt  }
0x56: {  	_ =	shalt  }
0x57: {  	_ =	shalt  }
0x58: {  	_ =	shalt  }
0x59: {  	_ =	shalt  }
0x5a: {  	_ =	shalt  }
0x5b: {  	_ =	shalt  }
0x5c: {  	_ =	shalt  }
0x5d: {  	_ =	shalt  }
0x5e: {  	_ =	shalt  }
0x5f: {  	_ =	shalt  }
0x60: {  	_ =	shalt  }
0x61: {  	_ =	shalt  }
0x62: {  	_ =	shalt  }
0x63: {  	_ =	shalt  }
0x64: {  	_ =	shalt  }
0x65: {  	_ =	shalt  }
0x66: {  	_ =	shalt  }
0x67: {  	_ =	shalt  }
0x68: {  	_ =	shalt  }
0x69: {  	_ =	shalt  }
0x6a: {  	_ =	shalt  }
0x6b: {  	_ =	shalt  }
0x6c: {  	_ =	shalt  }
0x6d: {  	_ =	shalt  }
0x6e: {  	_ =	shalt  }
0x6f: {  	_ =	shalt  }
0x70: {  	_ =	shalt  }
0x71: {  	_ =	shalt  }
0x72: {  	_ =	shalt  }
0x73: {  	_ =	shalt  }
0x74: {  	_ =	shalt  }
0x75: {  	_ =	shalt  }
0x76: {  	_ =	shalt  }
0x77: {  	_ =	shalt  }
0x78: {  	_ =	shalt  }
0x79: {  	_ =	shalt  }
0x7a: {  	_ =	shalt  }
0x7b: {  	_ =	shalt  }
0x7c: {  	_ =	shalt  }
0x7d: {  	_ =	shalt  }
0x7e: {  	_ =	shalt  }
0x7f: {  	_ =	shalt  }
0x80: {  	_ =	shalt  }
0x81: {  	_ =	shalt  }
0x82: {  	_ =	shalt  }
0x83: {  	_ =	shalt  }
0x84: {  	_ =	shalt  }
0x85: {  	_ =	shalt  }
0x86: {  	_ =	shalt  }
0x87: {  	_ =	shalt  }
.Lfunc_end0:
.L_simem_size_0:
called_computation.1_lowered:
.L_overlay_start_0:
0x88: {  	s2 =	sld [smem:$0x3FD9]  }
0x89: {  	s3 =	sld [smem:$0x3FFE];
	_ =	sdelay $0x1  }
0x8a: {  	s1 =	srdreg.scid  }
0x8b: {  	s0 =	sand.u32 $0x1, s1  }
0x8c: {  	s17 =	sshll.u32 s0, $0xA;
	s2 =	sadd.s32 s3, s2  }
0x8d: {  	s2 =	sadd.s32 s2, s17  }
0x8e: {  	[smem:$0x3FB0] =	sst s2  }
0x8f: {  	_ = 	snop  }
0x90: {  	s2 =	sld [smem:$0x3FD0];
	(tm) =	ssettm $0x1  }
0x91: {  	s18 =	sld [smem:$0x3FFB];
	_ =	sdelay $0x3  }
0x92: {  	_ =	strace s18  }
0x93: {  	s3 =	sld [smem:$0x3FFC];
	_ =	sdelay $0x3  }
0x94: {  	_ =	strace s3  }
0x95: {  	s3 =	sld [smem:$0x3FFD];
	_ =	sdelay $0x3  }
0x96: {  	_ =	strace s3  }
0x97: {  	_ =	strace $0x8FFFFFFF  }
0x98: {  	s19 =	sld [smem:$0x3FDB];
	_ =	sdelay $0x1  }
0x99: {  	s4 =	simm.s32 $_scs_section_size  }
0x9a: {  	s5 =	simm.s32 $_size__tile_overlayer_lowered;
	s6 =	simm.s32 $_tile_overlayer_lowered  }
0x9b: {  	s22 =	simm.s32 $0x1BFF;
	s21 =	sshll.u32 s6, $0x1;
	s3 =	sadd.s32 s4, s19  }
0x9c: {  	s7 =	simm.s32 $0x0;
	s20 =	sshll.u32 s5, $0x1;
	s5 =	sadd.s32 s21, s3  }
0x9d: {  	[timem:s7], [sflag:s22] =	dma.local [hbm:s5], s20  }
0x9e: {  	_ =	swait.ge [sflag:s22], s20  }
0x9f: {  	s4 =	ssub.s32 $0x0, s20;
	[sflag:s22] =	ssyncset.done $0x0  }
0xa0: {  	[sflag:s22] =	ssyncadd.s32 s4;
	_ =	sdelay $0x1  }
0xa1: {  	s23 =	simm.s32 $0x1B8B  }
0xa2: {  	_ =	swait.ge [sflag:s23], $0x1  }
0xa3: {  	[sflag:s23] =	ssyncset.done $0x0  }
0xa4: {  	s25 =	simm.s32 $0x1B8E;
	s24 =	sld [smem:$0x3FFE];
	[sflag:s23] =	ssyncadd.s32 $0xFFFFFFFF  }
0xa5: {  	s26 =	simm.s32 $execute0_lowered;
	[smem:$0x3FD2] =	sst s25  }
0xa6: {  	s5 =	sshll.u32 s26, $0x1;
	_ =	strace $0x80000046;
	[dreg:$0x1] =	wrdreg $0xFFFFFFFF  }
0xa7: {  	s28 =	simm.s32 $_size_execute0_lowered;
	s3 =	sadd.s32 s3, s5;
	[dreg:$0x0] =	wrdreg $0x0  }
0xa8: {  	s5 =	sshll.u32 s28, $0x1;
	[dreg:$0x2] =	wrdreg s3  }
0xa9: {  	[dreg:$0x3] =	wrdreg s5  }
0xaa: {  	[dreg:$0x4] =	wrdreg $0xC0  }
0xab: {  	_ =	task [dreg:s7], $0x5FFFF  }
0xac: {  	[dreg:$0x1] =	wrdreg $0xFFFFFFFF  }
0xad: {  	[dreg:$0x0] =	wrdreg $0x60  }
0xae: {  	[dreg:$0x2] =	wrdreg s24  }
0xaf: {  	[dreg:$0x3] =	wrdreg s2  }
0xb0: {  	[dreg:$0x4] =	wrdreg $0xD4800  }
0xb1: {  	[dreg:$0x5] =	wrdreg $0xA  }
0xb2: {  	_ =	task.clear_ibuf [dreg:s7], $0x6FFFF;
	_ =	strace $0x90000046  }
0xb3: {  	s29 =	simm.s32 $0xA;
	_ =	strace $0x80000048  }
0xb4: {  	_ =	swait.ge [sflag:s29], $0x1  }
0xb5: {  	[sflag:s29] =	ssyncadd.s32 $0xFFFFFFFF  }
0xb6: {  	_ =	strace $0x90000048  }
0xb7: {  	_ =	sfence  }
0xb8: {  	s30 =	sld [smem:$0x0];
	_ =	sdelay $0x2  }
0xb9: {  	s31 =	sshll.u32 s1, $0xD;
	s1 =	sshrl.u32 s1, $0x2  }
0xba: {  	s3 =	sand.u32 $0x4000, s31;
	s1 =	sadd.s32 s1, s30  }
0xbb: {  	s0 =	sor.u32 s3, s0;
	s1 =	sshll.u32 s1, $0x11  }
0xbc: {  	s0 =	sor.u32 s1, s0  }
0xbd: {  	s0 =	sadd.s32 $0x8F2B, s0  }
0xbe: {  	[sflag:s0] =	ssyncadd.remote.s32 $0x1  }
0xbf: {  	_ =	sfence.sel $0xFFFF  }
0xc0: {  	[dreg:$0x0] =	wrdreg $0xFFFFFFFF;
	(pc) =	sbr.abs _section_cstart, $3  }
0xc1: {  	[dreg:$0x1] =	wrdreg $0xFFFFFFFF  }
0xc2: {  	_ =	task.clear_ibuf [dreg:s7], $0x2FFFF;
	_ =	strace $0x9FFFFFFF  }
0xc3: {  	(tm) =	ssettm $0x7FFFFFFF  }
tec
execute0_lowered:
.L_overlay_start_1:
0x0: {  	(tag) =	ssettag $0x1  }
0x1: {  	s4 =	rddreg [dreg:$0x0]  }
0x2: {  	s6 =	rddreg [dreg:$0x1]  }
0x3: {  	s2 =	rddreg [dreg:$0x2]  }
0x4: {  	s0 =	rddreg [dreg:$0x3];
	s1 =	stileid.u32  }
0x5: {  	s5 =	srdreg.scid;
	s3 =	simm.s32 $0x0;
	s16 =	simm.s32 $0x5140  }
0x6: {  	s17 =	simm.s32 $0x64;
	s18 =	simm.s32 $0xA280;
	s19 =	simm.s32 $0xBB80  }
0x7: {  	s20 =	simm.s32 $0x1;
	s21 =	simm.s32 $0x2;
	s22 =	simm.s32 $0x0  }
0x8: {  	s7 =	smul.u32 $0xA28, s1;
	s5 =	sand.u32 $0x1, s5;
	[smem:$0x7FF] =	sst s3  }
0x9: {  	s9 =	smul.u32 $0x9C00, s1;
	s13 =	sadd.s32 $0x92400, s2;
	p0 =	seq.s32 s1, $0xF  }
0xa: {  	s8 =	smul.u32 $0x13880, s5;
	_ =	strace $0x80000047;
	s5 =	ssub.s32 $0x2, s5  }
0xb: {  	s15 =	sshll.u32 @!p0 s1, $0x6;
	s10 =	sadd.s32 s7, s4;
	s31 =	sshrl.u32 s5, $0x1  }
0xc: {  	s14 =	sadd.s32 s9, s2;
	s11 =	sadd.s32 s8, s4;
	s12 =	ssub.s32 s5, s31  }
0xd: {  	s4 =	sshrl.u32 s9, $0x3;
	s7 =	sadd.s32 $0x83400, s10;
	s8 =	sadd.s32 $0x79000, s10  }
0xe: {  	s14 =	sshrl.u32 @!p0 s14, $0x3;
	s5 =	sadd.s32 s6, s4;
	s6 =	sadd.s32 $0x12480, s6  }
0xf: {  	s9 =	sadd.s32 $0x51E00, s11;
	s10 =	sadd.s32 $0x8D800, s11;
	s11 =	smax.u32 s12, $0x1  }
0x10: {  	s12 =	sshrl.u32 @p0 s13, $0x3;
	s13 =	sor.u32 @!p0 $0x1C03, s15;
	s15 =	simm.s32 $0x3  }
.LBB2_1:
0x11: {  	s23 =	simm.s32 @p0 $0x1FC3  }
0x12: {  	[spmem:s12], [sflag:s23] =	dma.local @p0 [hbm:s6], $0x1400  }
0x13: {  	s23 =	simm.s32 @p0 $0x3  }
0x14: {  	_ =	swait.ge @p0 [sflag:s23], $0x1400  }
0x15: {  	[sflag:s23] =	ssyncset.done @p0 $0x0  }
0x16: {  	[sflag:s23] =	ssyncadd.s32 @p0 $0xFFFFEC00;
	s23 =	simm.s32 @!p0 $0x3  }
0x17: {  	[spmem:s14], [sflag:s13] =	dma.local @!p0 [hbm:s5], $0x1380  }
0x18: {  	_ =	swait.ge @!p0 [sflag:s23], $0x1380  }
0x19: {  	[sflag:s23] =	ssyncset.done @!p0 $0x0  }
0x1a: {  	[sflag:s23] =	ssyncadd.s32 @!p0 $0xFFFFEC80  }
0x1b: {  	[tilespmem:s3], [sflag:$0x3] =	stream.linear.gather [hbm4b:s7+s3], $0x5140, $0x38;
	[tilespmem:$0x170C0] =	vst v63  }
0x1c: {  	_ =	swait.ge [sflag:s15], $0x5140  }
0x1d: {  	[sflag:s15] =	ssyncset.done $0x0  }
0x1e: {  	[sflag:s15] =	ssyncadd.s32 $0xFFFFAEC0  }
0x1f: {  	[tilespmem:s16], [sflag:$0x3] =	stream.linear.gather [hbm4b:s8+s3], $0x5140, $0x38;
	[tilespmem:$0x170C0] =	vst v63  }
0x20: {  	_ =	swait.ge [sflag:s15], $0x5140  }
0x21: {  	[sflag:s15] =	ssyncset.done $0x0  }
0x22: {  	[sflag:s15] =	ssyncadd.s32 $0xFFFFAEC0  }
0x23: {  	s28 =	simm.s32 $0x0;
	[bflag:$0x0] =	sbarrier.arrive $0xFFFF  }
0x24: {  	[tilespmem:s18], [sflag:$0x1] =	stream.indirect.gather [hbm4b:s9+s17], $0x40, s28, s17, $0xb8;
	[tilespmem:$0x170C0] =	vst v63  }
0x25: {  	s29 =	simm.s32 $0x68  }
0x26: {  	[tilespmem:s19], [sflag:$0x2] =	stream.indirect.gather [hbm4b:s9+s17], $0x40, s29, s17, $0xb8;
	[tilespmem:$0x170C0] =	vst v63  }
0x27: {  	_ =	swait.ge [sflag:s20], $0x1900  }
0x28: {  	[sflag:s20] =	ssyncset.done $0x0  }
0x29: {  	s30 =	simm.s32 $0x5140;
	[sflag:s20] =	ssyncadd.s32 $0xFFFFE700  }
0x2a: {  	[spmem:s2] =	stream.indirect.scatter.add.f32 [tilespmem:s18], [sflag:$0x3], $0x40, s30, s17, $0xb8;
	[tilespmem:$0x170C0] =	vst v63  }
0x2b: {  	_ =	swait.ge [sflag:s15], $0x1900  }
0x2c: {  	[sflag:s15] =	ssyncset.done $0x0  }
0x2d: {  	[sflag:s15] =	ssyncadd.s32 $0xFFFFE700  }
0x2e: {  	_ =	swait.ge [sflag:s21], $0x1900  }
0x2f: {  	[sflag:s21] =	ssyncset.done $0x0  }
0x30: {  	s31 =	simm.s32 $0x51A8;
	[sflag:s21] =	ssyncadd.s32 $0xFFFFE700  }
0x31: {  	[spmem:s2] =	stream.indirect.scatter.add.f32 [tilespmem:s19], [sflag:$0x3], $0x40, s31, s17, $0xb8;
	[tilespmem:$0x170C0] =	vst v63  }
0x32: {  	_ =	swait.ge [sflag:s15], $0x1900  }
0x33: {  	s24 =	simm.s32 $0x680;
	s23 =	simm.s32 $0x340;
	[sflag:s15] =	ssyncset.done $0x0  }
.LBB2_2:
0x34: {  	s25 =	sshra.s32 s23, $0x2  }
0x35: {  	[sflag:s15] =	ssyncadd.s32 $0xFFFFE700;
	s23 =	smov.u32 s24;
	s26 =	sadd.s32 $0x340, s24  }
0x36: {  	[tilespmem:s18], [sflag:$0x1] =	stream.indirect.gather [hbm4b:s9+s17], $0x40, s25, s17, $0xb8;
	[tilespmem:$0x170C0] =	vst v63  }
0x37: {  	p1 =	sne.s32 s24, $0x141C0;
	s24 =	sadd.s32 $0x68, s25  }
0x38: {  	[tilespmem:s19], [sflag:$0x2] =	stream.indirect.gather [hbm4b:s9+s17], $0x40, s24, s17, $0xb8;
	[tilespmem:$0x170C0] =	vst v63  }
0x39: {  	_ =	swait.ge [sflag:s20], $0x1900  }
0x3a: {  	[sflag:s20] =	ssyncset.done $0x0  }
0x3b: {  	s24 =	sadd.s32 $0x5140, s25;
	[sflag:s20] =	ssyncadd.s32 $0xFFFFE700  }
0x3c: {  	[spmem:s2] =	stream.indirect.scatter.add.f32 [tilespmem:s18], [sflag:$0x3], $0x40, s24, s17, $0xb8;
	[tilespmem:$0x170C0] =	vst v63  }
0x3d: {  	_ =	swait.ge [sflag:s15], $0x1900  }
0x3e: {  	[sflag:s15] =	ssyncset.done $0x0  }
0x3f: {  	[sflag:s15] =	ssyncadd.s32 $0xFFFFE700  }
0x40: {  	_ =	swait.ge [sflag:s21], $0x1900  }
.Ltmp0:
0x41: {  	[sflag:s21] =	ssyncset.done $0x0;
	(pc) =	sbr.rel @p1 .LBB2_2-.Ltmp0, $4  }
0x42: {  	s24 =	sadd.s32 $0x51A8, s25;
	[sflag:s21] =	ssyncadd.s32 $0xFFFFE700  }
0x43: {  	[spmem:s2] =	stream.indirect.scatter.add.f32 [tilespmem:s19], [sflag:$0x3], $0x40, s24, s17, $0xb8;
	[tilespmem:$0x170C0] =	vst v63  }
0x44: {  	_ =	swait.ge [sflag:s15], $0x1900  }
0x45: {  	s24 =	smov.u32 s26;
	[sflag:s15] =	ssyncset.done $0x0  }
0x46: {  	s23 =	sshra.s32 s23, $0x2;
	[sflag:s15] =	ssyncadd.s32 $0xFFFFE700  }
0x47: {  	[tilespmem:s18], [sflag:$0x1] =	stream.indirect.gather [hbm4b:s9+s17], $0x40, s23, s17, $0xb8;
	[tilespmem:$0x170C0] =	vst v63  }
0x48: {  	s24 =	sadd.s32 $0x68, s23  }
0x49: {  	[tilespmem:s19], [sflag:$0x2] =	stream.indirect.gather [hbm4b:s9+s17], $0x40, s24, s17, $0xb8;
	[tilespmem:$0x170C0] =	vst v63  }
0x4a: {  	_ =	swait.ge [sflag:s20], $0x1900  }
0x4b: {  	[sflag:s20] =	ssyncset.done $0x0  }
0x4c: {  	s31 =	sadd.s32 $0x5140, s23;
	[sflag:s20] =	ssyncadd.s32 $0xFFFFE700  }
0x4d: {  	[spmem:s2] =	stream.indirect.scatter.add.f32 [tilespmem:s18], [sflag:$0x3], $0x40, s31, s17, $0xb8;
	[tilespmem:$0x170C0] =	vst v63  }
0x4e: {  	_ =	swait.ge [sflag:s15], $0x1900  }
0x4f: {  	[sflag:s15] =	ssyncset.done $0x0  }
0x50: {  	[sflag:s15] =	ssyncadd.s32 $0xFFFFE700  }
0x51: {  	_ =	swait.ge [sflag:s21], $0x1900  }
0x52: {  	[sflag:s21] =	ssyncset.done $0x0  }
0x53: {  	s23 =	sadd.s32 $0x51A8, s23;
	[sflag:s21] =	ssyncadd.s32 $0xFFFFE700  }
0x54: {  	[spmem:s2] =	stream.indirect.scatter.add.f32 [tilespmem:s19], [sflag:$0x3], $0x40, s23, s17, $0xb8;
	[tilespmem:$0x170C0] =	vst v63  }
0x55: {  	_ =	swait.ge [sflag:s15], $0x1900  }
0x56: {  	[sflag:s15] =	ssyncset.done $0x0  }
0x57: {  	[sflag:s15] =	ssyncadd.s32 $0xFFFFE700  }
0x58: {  	s24 =	simm.s32 @p0 $0x1FC3;
	s23 =	sadd.s32 @p0 $0x12480, s10;
	[bflag:$0x0] =	sbarrier.arrive $0xFFFF  }
0x59: {  	[hbm:s23], [sflag:s24] =	dma.local @p0 [spmem:s12], $0x1400  }
0x5a: {  	s23 =	simm.s32 @p0 $0x3  }
0x5b: {  	_ =	swait.ge @p0 [sflag:s23], $0x1400  }
0x5c: {  	s22 =	sadd.s32 $0x1, s22;
	[sflag:s23] =	ssyncset.done @p0 $0x0  }
0x5d: {  	p1 =	sne.s32 s22, s11;
	[sflag:s23] =	ssyncadd.s32 @p0 $0xFFFFEC00;
	s23 =	sadd.s32 @!p0 s4, s10  }
0x5e: {  	[hbm:s23], [sflag:s13] =	dma.local @!p0 [spmem:s14], $0x1380  }
.Ltmp1:
0x5f: {  	_ = 	snop;
	(pc) =	sbr.rel @p1 .LBB2_1-.Ltmp1, $4  }
0x60: {  	s23 =	simm.s32 @!p0 $0x3  }
0x61: {  	_ =	swait.ge @!p0 [sflag:s23], $0x1380  }
0x62: {  	[sflag:s23] =	ssyncset.done @!p0 $0x0  }
0x63: {  	[sflag:s23] =	ssyncadd.s32 @!p0 $0xFFFFEC80  }
0x64: {  	_ =	sfence.sel $0x180000  }
0x65: {  	[bflag:$0x0] =	sbarrier.arrive $0xFFFF  }
0x66: {  	p0 =	sne.s32 s1, $0x0;
	_ =	strace $0x90000047  }
0x67: {  	s0 =	sadd.s32 @!p0 $0x100000, s0;
	[bflag:$0x2] =	sbarrier.arrive $0xFFFF  }
0x68: {  	[sflag:s0] =	ssyncadd.tile.s32 @!p0 $0x1;
	_ =	shalt  }
.Lfunc_end2:
_tile_overlayer_lowered:
.L_overlay_start_2:
0x69: {  	(tag) =	ssettag $0x2  }
0x6a: {  	s0 =	rddreg [dreg:$0x0];
	s2 =	stileid.u32  }
0x6b: {  	s1 =	rddreg [dreg:$0x1];
	p0 =	sne.s32 s2, $0x0  }
0x6c: {  	s3 =	rddreg [dreg:$0x2];
	[bflag:$0x3] =	sbarrier.arrive $0xFFFF;
	s2 =	simm.s32 @!p0 $0x1C03  }
0x6d: {  	[timem:s3], [sflag:s2] =	dma.local @!p0 [hbm:s0], s1  }
0x6e: {  	s0 =	simm.s32 @!p0 $0x3  }
0x6f: {  	_ =	swait.ge @!p0 [sflag:s0], s1  }
0x70: {  	s1 =	ssub.s32 @!p0 $0x0, s1;
	[sflag:s0] =	ssyncset.done @!p0 $0x0  }
0x71: {  	[sflag:s0] =	ssyncadd.s32 @!p0 s1  }
0x72: {  	[bflag:$0x3] =	sbarrier.arrive $0xFFFF  }
0x73: {  	_ =	shalt  }

</sc_bundles>
